<compile_context>
chip_gen: v7x
topology: tpu7x:2x2x1
jax: 0.10.2.dev20260603
libtpu: 0.0.44.dev20260713+nightly
codegen_flags: <defaults>
</compile_context>

<pallas_src>
import functools

import jax
import jax.numpy as jnp
from jax import lax
from jax.experimental import pallas as pl
from jax.experimental.pallas import tpu as pltpu
from jax.experimental.pallas import tpu_sc as plsc

NODE_DIM = 128
EDGE_DIM = 16
HID = 272
MT_ROWS = 160


def _lrelu(x, s):
    return jnp.where(x > 0, x, s * x)


def _pick_tile(n, cands):
    for c in cands:
        if n % c == 0:
            return c
    return n


def _sc_gather(node_feats, src, dst):
    N, D = node_feats.shape
    E = src.shape[0]
    NW = 32
    per_w = E // NW
    CH = 80
    n_ch = per_w // CH
    mesh = plsc.VectorSubcoreMesh(core_axis_name="c", subcore_axis_name="s")

    @functools.partial(
        pl.kernel, mesh=mesh,
        out_type=[jax.ShapeDtypeStruct((E, D), jnp.float32),
                  jax.ShapeDtypeStruct((E, D), jnp.float32)],
        scratch_types=[pltpu.VMEM((CH,), jnp.int32),
                       pltpu.VMEM((CH,), jnp.int32),
                       pltpu.VMEM((CH, D), jnp.float32),
                       pltpu.VMEM((CH, D), jnp.float32),
                       pltpu.SemaphoreType.DMA,
                       pltpu.SemaphoreType.DMA],
    )
    def k(table, src_hbm, dst_hbm, hs_out, hd_out, si_v, di_v, sr_v, dr_v,
          s1, s2):
        wid = lax.axis_index("s") * 2 + lax.axis_index("c")
        base = wid * per_w

        def body(i, _):
            off = base + i * CH
            pltpu.sync_copy(src_hbm.at[pl.ds(off, CH)], si_v)
            pltpu.sync_copy(dst_hbm.at[pl.ds(off, CH)], di_v)
            c1 = pltpu.async_copy(table.at[si_v], sr_v, s1)
            c2 = pltpu.async_copy(table.at[di_v], dr_v, s2)
            c1.wait()
            c2.wait()
            pltpu.sync_copy(sr_v, hs_out.at[pl.ds(off, CH)])
            pltpu.sync_copy(dr_v, hd_out.at[pl.ds(off, CH)])
            return 0

        lax.fori_loop(0, n_ch, body, 0)

    return k(node_feats, src, dst)


SEG_CH = 2000


def _edge_stage(h_src, h_dst, edge_feats, p):
    E = h_src.shape[0]
    T = SEG_CH
    grid = (E // T,)
    w1 = p['mb_w1']
    w1s = w1[:NODE_DIM]
    w1d = w1[NODE_DIM:2 * NODE_DIM]
    w1e = w1[2 * NODE_DIM:2 * NODE_DIM + EDGE_DIM]
    wih_t = p['egru_wih'].T
    whh_t = p['egru_whh'].T
    bih = p['egru_bih'].reshape(1, -1)
    bhh = p['egru_bhh'].reshape(1, -1)

    def body(hs_ref, hd_ref, ef_ref, w1s_ref, w1d_ref, w1e_ref, b1_ref,
             g_ref, bb_ref, w2_ref, b2_ref, wih_ref, whh_ref, bih_ref,
             bhh_ref, resw_ref, resb_ref, enew_ref, mt_ref):
        hs = hs_ref[...]
        hd = hd_ref[...]
        ef = ef_ref[...]
        h = (hs @ w1s_ref[...] + hd @ w1d_ref[...] + ef @ w1e_ref[...]
             + b1_ref[...])
        mu = jnp.mean(h, axis=-1, keepdims=True)
        var = jnp.mean((h - mu) ** 2, axis=-1, keepdims=True)
        h = (h - mu) * lax.rsqrt(var + 1e-5) * g_ref[...] + bb_ref[...]
        h = _lrelu(h, 0.2)
        x = h @ w2_ref[...] + b2_ref[...]
        gi = x @ wih_ref[...] + bih_ref[...]
        gh = ef @ whh_ref[...] + bhh_ref[...]
        i_r, i_z, i_n = gi[:, :16], gi[:, 16:32], gi[:, 32:48]
        h_r, h_z, h_n = gh[:, :16], gh[:, 16:32], gh[:, 32:48]
        r = jax.nn.sigmoid(i_r + h_r)
        z = jax.nn.sigmoid(i_z + h_z)
        n = jnp.tanh(i_n + r * h_n)
        e0 = (1.0 - z) * n + z * ef
        e_new = _lrelu(e0 + ef @ resw_ref[...] + resb_ref[...], 0.01)
        enew_ref[...] = e_new
        mt_ref[0, 0:NODE_DIM, :] = hs.T
        mt_ref[0, NODE_DIM:NODE_DIM + EDGE_DIM, :] = e_new.T
        mt_ref[0, NODE_DIM + EDGE_DIM:MT_ROWS, :] = jnp.zeros(
            (MT_ROWS - NODE_DIM - EDGE_DIM, e_new.shape[0]), jnp.float32)

    def rowspec(d):
        return pl.BlockSpec((T, d), lambda i: (i, 0))

    def wspec(a):
        return pl.BlockSpec(a.shape, lambda i: (0,) * a.ndim)

    ws = [w1s, w1d, w1e, p['mb_b1'].reshape(1, -1),
          p['mb_ln_g'].reshape(1, -1), p['mb_ln_b'].reshape(1, -1),
          p['mb_w2'], p['mb_b2'].reshape(1, -1), wih_t, whh_t, bih, bhh,
          p['eres_w'], p['eres_b'].reshape(1, -1)]
    return pl.pallas_call(
        body,
        grid=grid,
        in_specs=[rowspec(NODE_DIM), rowspec(NODE_DIM), rowspec(EDGE_DIM)]
                 + [wspec(a) for a in ws],
        out_specs=[rowspec(EDGE_DIM),
                   pl.BlockSpec((1, MT_ROWS, T), lambda i: (i, 0, 0))],
        out_shape=[jax.ShapeDtypeStruct((E, EDGE_DIM), jnp.float32),
                   jax.ShapeDtypeStruct((E // T, MT_ROWS, T), jnp.float32)],
    )(h_src, h_dst, edge_feats, *ws)


def _sc_segment(m_t, dst, npad):
    E = m_t.shape[0] // MT_ROWS
    NW = 32
    CPW = MT_ROWS // NW
    CH = SEG_CH
    NB = CH // 16
    n_ch = E // CH
    mesh = plsc.VectorSubcoreMesh(core_axis_name="c", subcore_axis_name="s")

    @functools.partial(
        pl.kernel, mesh=mesh,
        out_type=[jax.ShapeDtypeStruct((MT_ROWS * npad,), jnp.float32),
                  jax.ShapeDtypeStruct((MT_ROWS * npad,), jnp.float32)],
        scratch_types=[pltpu.VMEM((CPW * npad,), jnp.float32),
                       pltpu.VMEM((CPW * npad,), jnp.float32),
                       pltpu.VMEM((CPW * CH,), jnp.float32),
                       pltpu.VMEM((CPW * CH,), jnp.float32),
                       pltpu.VMEM((CH,), jnp.int32),
                       pltpu.VMEM((CH,), jnp.int32),
                       pltpu.VMEM((2048,), jnp.int32),
                       pltpu.SemaphoreType.DMA,
                       pltpu.SemaphoreType.DMA,
                       pltpu.SemaphoreType.DMA,
                       pltpu.SemaphoreType.DMA],
        compiler_params=pltpu.CompilerParams(needs_layout_passes=False),
    )
    def k(mt_hbm, dst_hbm, st_out, mx_out, acc_s, acc_m, mbuf0, mbuf1,
          dbuf0, dbuf1, dtmp, sm0, sm1, sd0, sd1):
        wid = lax.axis_index("s") * 2 + lax.axis_index("c")
        r0 = wid * CPW
        zero = jnp.zeros((16,), jnp.float32)
        ninf = jnp.full((16,), -jnp.inf, jnp.float32)
        lid = lax.iota(jnp.int32, 16)
        mbufs = (mbuf0, mbuf1)
        dbufs = (dbuf0, dbuf1)
        sms = (sm0, sm1)
        sds = (sd0, sd1)

        def init_body(i, _):
            acc_s[pl.ds(i * 16, 16)] = zero
            acc_m[pl.ds(i * 16, 16)] = ninf
            return 0

        lax.fori_loop(0, CPW * npad // 16, init_body, 0)

        def issue(c, par):
            pltpu.async_copy(
                mt_hbm.at[pl.ds((c * MT_ROWS + r0) * CH, CPW * CH)],
                mbufs[par], sms[par])
            pltpu.async_copy(dst_hbm.at[pl.ds(c * CH, CH)],
                             dbufs[par], sds[par])

        def process(mbuf, dbuf):
            def batch_body(b, _):
                d = dbuf[pl.ds(b * 16, 16)]
                hw = jnp.bitwise_and(d, 2047)
                plsc.store_scatter(dtmp, [hw], lid)
                got = plsc.load_gather(dtmp, [hw])
                clean = jnp.all(got == lid)

                @pl.when(clean)
                def _():
                    for j in range(CPW):
                        dj = d + j * npad
                        val = mbuf[pl.ds(j * CH + b * 16, 16)]
                        plsc.addupdate_scatter(acc_s, [dj], val)
                        old = plsc.load_gather(acc_m, [dj])
                        plsc.store_scatter(acc_m, [dj], val, mask=val > old)

                @pl.when(jnp.logical_not(clean))
                def _():
                    for j in range(CPW):
                        dj = d + j * npad
                        val = mbuf[pl.ds(j * CH + b * 16, 16)]
                        plsc.addupdate_scatter(acc_s, [dj], val)
                        old = plsc.load_gather(acc_m, [dj])
                        pend = val > old
                        for _r in range(4):
                            plsc.store_scatter(acc_m, [dj], val, mask=pend)
                            cur = plsc.load_gather(acc_m, [dj])
                            pend = cur < val
                return 0

            lax.fori_loop(0, NB, batch_body, 0)

        def drain(par):
            pltpu.make_async_copy(
                mt_hbm.at[pl.ds(r0 * CH, CPW * CH)], mbufs[par],
                sms[par]).wait()
            pltpu.make_async_copy(
                dst_hbm.at[pl.ds(0, CH)], dbufs[par], sds[par]).wait()

        issue(0, 0)

        def pair_body(c2, _):
            for par in (0, 1):
                c = 2 * c2 + par

                @pl.when(c + 1 < n_ch)
                def _():
                    issue(c + 1, 1 - par)

                drain(par)
                process(mbufs[par], dbufs[par])
            return 0

        lax.fori_loop(0, n_ch // 2, pair_body, 0)
        for j in range(CPW):
            pltpu.sync_copy(acc_s.at[pl.ds(j * npad, npad)],
                            st_out.at[pl.ds((r0 + j) * npad, npad)])
            pltpu.sync_copy(acc_m.at[pl.ds(j * npad, npad)],
                            mx_out.at[pl.ds((r0 + j) * npad, npad)])

    s_t, mx_t = k(m_t, dst)
    return (s_t.reshape(MT_ROWS, npad), mx_t.reshape(MT_ROWS, npad))


def _node_stage(s_t, mx_t, node_feats, p):
    N = node_feats.shape[0]
    T = _pick_tile(N, (2048, 1024, 512, 256, 128))
    grid = (N // T,)
    D = NODE_DIM + EDGE_DIM
    w1 = p['mb_w1']
    pad = jnp.zeros((MT_ROWS - D, HID), jnp.float32)
    w1s = jnp.concatenate([w1[:D], pad], axis=0)
    w1m = jnp.concatenate([w1[D:2 * D], pad], axis=0)
    wih_t = p['agru_wih'].T
    whh_t = p['agru_whh'].T
    bih = p['agru_bih'].reshape(1, -1)
    bhh = p['agru_bhh'].reshape(1, -1)

    def body(st_ref, mt_ref, nf_ref, w1s_ref, w1m_ref, b1_ref, g_ref, bb_ref,
             w2_ref, b2_ref, wih_ref, whh_ref, bih_ref, bhh_ref, resw_ref,
             resb_ref, hnew_ref):
        st = st_ref[...]
        mt = mt_ref[...]
        mt = jnp.where(jnp.isfinite(mt), mt, 0.0)
        nf = nf_ref[...]
        dn = (((0,), (0,)), ((), ()))
        h = (lax.dot_general(st, w1s_ref[...], dn,
                             preferred_element_type=jnp.float32)
             + lax.dot_general(mt, w1m_ref[...], dn,
                               preferred_element_type=jnp.float32)
             + b1_ref[...])
        mu = jnp.mean(h, axis=-1, keepdims=True)
        var = jnp.mean((h - mu) ** 2, axis=-1, keepdims=True)
        h = (h - mu) * lax.rsqrt(var + 1e-5) * g_ref[...] + bb_ref[...]
        h = _lrelu(h, 0.2)
        x = h @ w2_ref[...] + b2_ref[...]
        gi = x @ wih_ref[...] + bih_ref[...]
        gh = nf @ whh_ref[...] + bhh_ref[...]
        K = NODE_DIM
        i_r, i_z, i_n = gi[:, :K], gi[:, K:2 * K], gi[:, 2 * K:3 * K]
        h_r, h_z, h_n = gh[:, :K], gh[:, K:2 * K], gh[:, 2 * K:3 * K]
        r = jax.nn.sigmoid(i_r + h_r)
        z = jax.nn.sigmoid(i_z + h_z)
        n = jnp.tanh(i_n + r * h_n)
        h0 = (1.0 - z) * n + z * nf
        h_new = _lrelu(h0 + nf @ resw_ref[...] + resb_ref[...], 0.01)
        hnew_ref[...] = h_new

    def wspec(a):
        return pl.BlockSpec(a.shape, lambda i: (0,) * a.ndim)

    ws = [w1s, w1m, p['mb_b1'].reshape(1, -1), p['mb_ln_g'].reshape(1, -1),
          p['mb_ln_b'].reshape(1, -1), p['mb_w2'],
          p['mb_b2'].reshape(1, -1), wih_t, whh_t, bih, bhh,
          p['ares_w'], p['ares_b'].reshape(1, -1)]
    return pl.pallas_call(
        body,
        grid=grid,
        in_specs=[pl.BlockSpec((MT_ROWS, T), lambda i: (0, i)),
                  pl.BlockSpec((MT_ROWS, T), lambda i: (0, i)),
                  pl.BlockSpec((T, NODE_DIM), lambda i: (i, 0))]
                 + [wspec(a) for a in ws],
        out_specs=pl.BlockSpec((T, NODE_DIM), lambda i: (i, 0)),
        out_shape=jax.ShapeDtypeStruct((N, NODE_DIM), jnp.float32),
    )(s_t, mx_t, node_feats, *ws)


def kernel(node_feats, edge_feats, params, edge_index):
    n = node_feats.shape[0]
    src = edge_index[0]
    dst = edge_index[1]
    h_src, h_dst = _sc_gather(node_feats, src, dst)
    e_new, m_t = _edge_stage(h_src, h_dst, edge_feats, params)
    npad = ((n + 2047) // 2048) * 2048
    s_t, mx_t = _sc_segment(m_t.reshape(-1), dst, npad)
    nf_pad = jnp.pad(node_feats, ((0, npad - n), (0, 0)))
    h_new = _node_stage(s_t, mx_t, nf_pad, params)[:n]
    return (h_new, e_new)

# --- scband reference (transcript-rebuilt; emitter-appended) ---
"""Pipeline reference for scband-cmpnnlayer-80685255622666 (READ-ONLY COPY).

The authoritative reference and input builder live on the scoring server;
editing this copy changes nothing except your own understanding.
"""

import jax, jax.numpy as jnp
import numpy as np

NODE_DIM = 128
EDGE_DIM = 16
HIDDEN_DIM = 2 * NODE_DIM + EDGE_DIM  # 272; required so edge GRU input size matches msg_booster output
MB_IN = 2 * (NODE_DIM + EDGE_DIM)     # 288; node aggregation width (edge msgs zero-padded to this)
N_NODES = 10000
N_EDGES = 320000


def _lrelu(x, slope):
    return jnp.where(x > 0, x, slope * x)


def _gru_cell(x, h, w_ih, w_hh, b_ih, b_hh):
    gi = x @ w_ih.T + b_ih
    gh = h @ w_hh.T + b_hh
    i_r, i_z, i_n = jnp.split(gi, 3, axis=1)
    h_r, h_z, h_n = jnp.split(gh, 3, axis=1)
    r = jax.nn.sigmoid(i_r + h_r)
    z = jax.nn.sigmoid(i_z + h_z)
    n = jnp.tanh(i_n + r * h_n)
    return (1.0 - z) * n + z * h


def _msg_booster(x, p):
    h = x @ p['mb_w1'] + p['mb_b1']
    mu = jnp.mean(h, axis=-1, keepdims=True)
    var = jnp.mean((h - mu) ** 2, axis=-1, keepdims=True)
    h = (h - mu) / jnp.sqrt(var + 1e-5) * p['mb_ln_g'] + p['mb_ln_b']
    h = _lrelu(h, 0.2)
    return h @ p['mb_w2'] + p['mb_b2']


def _forward(node_feats, edge_feats, params, edge_index):
    src = edge_index[0]
    dst = edge_index[1]
    h_src = node_feats[src]
    h_dst = node_feats[dst]
    # edge update: msg = cat(src_h, dst_h, e); zero-pad to MB_IN so the shared msg_booster applies
    msg = jnp.concatenate([h_src, h_dst, edge_feats], axis=1)
    msg = jnp.concatenate([msg, jnp.zeros((msg.shape[0], MB_IN - msg.shape[1]), msg.dtype)], axis=1)
    edge_input = _msg_booster(msg, params)
    e_new = _gru_cell(edge_input, edge_feats, params['egru_wih'], params['egru_whh'], params['egru_bih'], params['egru_bhh'])
    e_new = _lrelu(e_new + edge_feats @ params['eres_w'] + params['eres_b'], 0.01)
    # node update: m = cat(src_h, e_new); agg = cat(sum_per_dst, max_per_dst)
    m = jnp.concatenate([h_src, e_new], axis=1)
    n = node_feats.shape[0]
    s = jax.ops.segment_sum(m, dst, num_segments=n)
    mx = jax.ops.segment_max(m, dst, num_segments=n)
    mx = jnp.where(jnp.isfinite(mx), mx, 0.0)
    agg = jnp.concatenate([s, mx], axis=1)
    node_input = _msg_booster(agg, params)
    h_new = _gru_cell(node_input, node_feats, params['agru_wih'], params['agru_whh'], params['agru_bih'], params['agru_bhh'])
    h_new = _lrelu(h_new + node_feats @ params['ares_w'] + params['ares_b'], 0.01)
    return (h_new, e_new)


def setup_inputs(seed: int = 0):
    key = jax.random.key(seed)
    ks = jax.random.split(key, 20)
    def p(i, shape):
        return jax.random.normal(ks[i], shape, dtype=jnp.float32) * 0.05
    node_feats = jax.random.normal(ks[0], (N_NODES, NODE_DIM), dtype=jnp.float32)
    edge_feats = jax.random.normal(ks[1], (N_EDGES, EDGE_DIM), dtype=jnp.float32)
    edge_index = jax.random.randint(ks[2], (2, N_EDGES), 0, N_NODES, dtype=jnp.int32)
    params = {
        'mb_w1': p(3, (MB_IN, HIDDEN_DIM)),
        'mb_b1': p(4, (HIDDEN_DIM,)),
        'mb_ln_g': jnp.ones((HIDDEN_DIM,), jnp.float32),
        'mb_ln_b': jnp.zeros((HIDDEN_DIM,), jnp.float32),
        'mb_w2': p(5, (HIDDEN_DIM, HIDDEN_DIM)),
        'mb_b2': p(6, (HIDDEN_DIM,)),
        'egru_wih': p(7, (3 * EDGE_DIM, HIDDEN_DIM)),
        'egru_whh': p(8, (3 * EDGE_DIM, EDGE_DIM)),
        'egru_bih': p(9, (3 * EDGE_DIM,)),
        'egru_bhh': p(10, (3 * EDGE_DIM,)),
        'agru_wih': p(11, (3 * NODE_DIM, HIDDEN_DIM)),
        'agru_whh': p(12, (3 * NODE_DIM, NODE_DIM)),
        'agru_bih': p(13, (3 * NODE_DIM,)),
        'agru_bhh': p(14, (3 * NODE_DIM,)),
        'eres_w': p(15, (EDGE_DIM, EDGE_DIM)),
        'eres_b': p(16, (EDGE_DIM,)),
        'ares_w': p(17, (NODE_DIM, NODE_DIM)),
        'ares_b': p(18, (NODE_DIM,)),
    }
    return {'node_feats': node_feats, 'edge_feats': edge_feats, 'params': params, 'edge_index': edge_index}


def reference(node_feats, edge_feats, params, edge_index):
    return _forward(node_feats, edge_feats, params, edge_index)

if __name__ == "__main__":
    import jax
    _d = setup_inputs()
    print(jax.jit(kernel)(*tuple(_d.values())))

</pallas_src>

<mosaic_0001>
#map = affine_map<(d0, d1) -> (0, 0)>
#map1 = affine_map<(d0, d1) -> (0)>
module attributes {stable_mosaic.version = 14 : i64} {
  func.func @k(%arg0: i32, %arg1: i32, %arg2: memref<10000x128xf32, #tpu.memory_space<hbm>>, %arg3: memref<320000xi32, #tpu.memory_space<hbm>>, %arg4: memref<320000xi32, #tpu.memory_space<hbm>>, %arg5: memref<320000x128xf32, #tpu.memory_space<hbm>>, %arg6: memref<320000x128xf32, #tpu.memory_space<hbm>>, %arg7: memref<80xi32, #tpu.memory_space<vmem>>, %arg8: memref<80xi32, #tpu.memory_space<vmem>>, %arg9: memref<80x128xf32, #tpu.memory_space<vmem>>, %arg10: memref<80x128xf32, #tpu.memory_space<vmem>>, %arg11: memref<!tpu.dma_semaphore, #tpu.memory_space<semaphore_mem>>, %arg12: memref<!tpu.dma_semaphore, #tpu.memory_space<semaphore_mem>>) attributes {dimension_semantics = [#tpu.dimension_semantics<core_parallel>, #tpu.dimension_semantics<subcore_parallel>], iteration_bounds = array<i64: 2, 16>, scalar_prefetch = 0 : i64, scratch_operands = 6 : i64, tpu.core_type = #tpu.core_type<sc_vector_subcore>, window_params = [{transform_indices = #map}, {transform_indices = #map1}, {transform_indices = #map1}, {transform_indices = #map}, {transform_indices = #map}]} {
    %mul3A = arith.constant 2 : i32
    %mul3A_0 = arith.muli %arg1, %mul3A : i32
    %add3A = arith.addi %mul3A_0, %arg0 : i32
    %mul3A_1 = arith.constant 10000 : i32
    %mul3A_2 = arith.muli %add3A, %mul3A_1 : i32
    %scan3A = arith.constant 0 : i32
    %scan3A_3 = arith.constant 0 : i32
    %scan3A_4 = arith.constant 125 : i32
    %scan3A_5 = arith.addi %scan3A_3, %scan3A_4 : i32
    %scan3A_6 = arith.constant 1 : i32
    %scan3A_7 = scf.for %scan3A_9 = %scan3A_3 to %scan3A_5 step %scan3A_6 iter_args(%scan3A_10 = %scan3A) -> (i32)  : i32 {
      %mul3A_11 = arith.constant 80 : i32
      %mul3A_12 = arith.muli %scan3A_9, %mul3A_11 : i32
      %add3A_13 = arith.addi %mul3A_2, %mul3A_12 : i32
      "tpu.region"() ({
        %run_scoped3A = tpu.sem_alloc : memref<!tpu.dma_semaphore, #tpu.memory_space<semaphore_mem>>
        %dma_start3A_25 = tpu.memref_slice %arg3[%add3A_13] : memref<320000xi32, #tpu.memory_space<hbm>> -> memref<80xi32, #tpu.memory_space<hbm>>
        %dma_start3A_26 = tpu.memref_slice %arg3[%add3A_13] : memref<320000xi32, #tpu.memory_space<hbm>> -> memref<80xi32, #tpu.memory_space<hbm>>
        tpu.enqueue_dma source(%dma_start3A_26 : memref<80xi32, #tpu.memory_space<hbm>>) target(%arg7 : memref<80xi32, #tpu.memory_space<vmem>>) target_semaphore(%run_scoped3A : memref<!tpu.dma_semaphore, #tpu.memory_space<semaphore_mem>>)
        %dma_wait3A_27 = tpu.memref_slice %arg3[%add3A_13] : memref<320000xi32, #tpu.memory_space<hbm>> -> memref<80xi32, #tpu.memory_space<hbm>>
        %dma_wait3A_28 = tpu.memref_slice %arg3[%add3A_13] : memref<320000xi32, #tpu.memory_space<hbm>> -> memref<80xi32, #tpu.memory_space<hbm>>
        tpu.wait_dma2 semaphore(%run_scoped3A : memref<!tpu.dma_semaphore, #tpu.memory_space<semaphore_mem>>) src(%dma_wait3A_28 : memref<80xi32, #tpu.memory_space<hbm>>) dst(%arg7 : memref<80xi32, #tpu.memory_space<vmem>>)
        tpu.yield
      }) : () -> ()
      "tpu.region"() ({
        %run_scoped3A = tpu.sem_alloc : memref<!tpu.dma_semaphore, #tpu.memory_space<semaphore_mem>>
        %dma_start3A_25 = tpu.memref_slice %arg4[%add3A_13] : memref<320000xi32, #tpu.memory_space<hbm>> -> memref<80xi32, #tpu.memory_space<hbm>>
        %dma_start3A_26 = tpu.memref_slice %arg4[%add3A_13] : memref<320000xi32, #tpu.memory_space<hbm>> -> memref<80xi32, #tpu.memory_space<hbm>>
        tpu.enqueue_dma source(%dma_start3A_26 : memref<80xi32, #tpu.memory_space<hbm>>) target(%arg8 : memref<80xi32, #tpu.memory_space<vmem>>) target_semaphore(%run_scoped3A : memref<!tpu.dma_semaphore, #tpu.memory_space<semaphore_mem>>)
        %dma_wait3A_27 = tpu.memref_slice %arg4[%add3A_13] : memref<320000xi32, #tpu.memory_space<hbm>> -> memref<80xi32, #tpu.memory_space<hbm>>
        %dma_wait3A_28 = tpu.memref_slice %arg4[%add3A_13] : memref<320000xi32, #tpu.memory_space<hbm>> -> memref<80xi32, #tpu.memory_space<hbm>>
        tpu.wait_dma2 semaphore(%run_scoped3A : memref<!tpu.dma_semaphore, #tpu.memory_space<semaphore_mem>>) src(%dma_wait3A_28 : memref<80xi32, #tpu.memory_space<hbm>>) dst(%arg8 : memref<80xi32, #tpu.memory_space<vmem>>)
        tpu.yield
      }) : () -> ()
      %dma_start3A = arith.constant 0 : i32
      %dma_start3A_14 = arith.constant 0 : i32
      %dma_start3A_15 = tpu.memref_slice %arg2[%dma_start3A, %dma_start3A_14] : memref<10000x128xf32, #tpu.memory_space<hbm>> -> memref<10000x128xf32, #tpu.memory_space<hbm>>
      tpu.enqueue_indirect_dma source(%dma_start3A_15 : memref<10000x128xf32, #tpu.memory_space<hbm>>) target(%arg9 : memref<80x128xf32, #tpu.memory_space<vmem>>) offsets(%arg7 : memref<80xi32, #tpu.memory_space<vmem>>) semaphore(%arg11 : memref<!tpu.dma_semaphore, #tpu.memory_space<semaphore_mem>>)
      %dma_start3A_16 = arith.constant 0 : i32
      %dma_start3A_17 = arith.constant 0 : i32
      %dma_start3A_18 = tpu.memref_slice %arg2[%dma_start3A_16, %dma_start3A_17] : memref<10000x128xf32, #tpu.memory_space<hbm>> -> memref<10000x128xf32, #tpu.memory_space<hbm>>
      tpu.enqueue_indirect_dma source(%dma_start3A_18 : memref<10000x128xf32, #tpu.memory_space<hbm>>) target(%arg10 : memref<80x128xf32, #tpu.memory_space<vmem>>) offsets(%arg8 : memref<80xi32, #tpu.memory_space<vmem>>) semaphore(%arg12 : memref<!tpu.dma_semaphore, #tpu.memory_space<semaphore_mem>>)
      %dma_wait3A = arith.constant 0 : i32
      %dma_wait3A_19 = arith.constant 0 : i32
      %dma_wait3A_20 = tpu.memref_slice %arg2[%dma_wait3A, %dma_wait3A_19] : memref<10000x128xf32, #tpu.memory_space<hbm>> -> memref<10000x128xf32, #tpu.memory_space<hbm>>
      tpu.wait_indirect_dma semaphore(%arg11 : memref<!tpu.dma_semaphore, #tpu.memory_space<semaphore_mem>>) src(%dma_wait3A_20 : memref<10000x128xf32, #tpu.memory_space<hbm>>) dst(%arg9 : memref<80x128xf32, #tpu.memory_space<vmem>>)
      %dma_wait3A_21 = arith.constant 0 : i32
      %dma_wait3A_22 = arith.constant 0 : i32
      %dma_wait3A_23 = tpu.memref_slice %arg2[%dma_wait3A_21, %dma_wait3A_22] : memref<10000x128xf32, #tpu.memory_space<hbm>> -> memref<10000x128xf32, #tpu.memory_space<hbm>>
      tpu.wait_indirect_dma semaphore(%arg12 : memref<!tpu.dma_semaphore, #tpu.memory_space<semaphore_mem>>) src(%dma_wait3A_23 : memref<10000x128xf32, #tpu.memory_space<hbm>>) dst(%arg10 : memref<80x128xf32, #tpu.memory_space<vmem>>)
      "tpu.region"() ({
        %run_scoped3A = tpu.sem_alloc : memref<!tpu.dma_semaphore, #tpu.memory_space<semaphore_mem>>
        %dma_start3A_25 = arith.constant 0 : i32
        %dma_start3A_26 = tpu.memref_slice %arg5[%add3A_13, %dma_start3A_25] : memref<320000x128xf32, #tpu.memory_space<hbm>> -> memref<80x128xf32, #tpu.memory_space<hbm>>
        %dma_start3A_27 = arith.constant 0 : i32
        %dma_start3A_28 = tpu.memref_slice %arg5[%add3A_13, %dma_start3A_27] : memref<320000x128xf32, #tpu.memory_space<hbm>> -> memref<80x128xf32, #tpu.memory_space<hbm>>
        tpu.enqueue_dma source(%arg9 : memref<80x128xf32, #tpu.memory_space<vmem>>) target(%dma_start3A_28 : memref<80x128xf32, #tpu.memory_space<hbm>>) target_semaphore(%run_scoped3A : memref<!tpu.dma_semaphore, #tpu.memory_space<semaphore_mem>>)
        %dma_wait3A_29 = arith.constant 0 : i32
        %dma_wait3A_30 = tpu.memref_slice %arg5[%add3A_13, %dma_wait3A_29] : memref<320000x128xf32, #tpu.memory_space<hbm>> -> memref<80x128xf32, #tpu.memory_space<hbm>>
        %dma_wait3A_31 = arith.constant 0 : i32
        %dma_wait3A_32 = tpu.memref_slice %arg5[%add3A_13, %dma_wait3A_31] : memref<320000x128xf32, #tpu.memory_space<hbm>> -> memref<80x128xf32, #tpu.memory_space<hbm>>
        tpu.wait_dma2 semaphore(%run_scoped3A : memref<!tpu.dma_semaphore, #tpu.memory_space<semaphore_mem>>) src(%arg9 : memref<80x128xf32, #tpu.memory_space<vmem>>) dst(%dma_wait3A_32 : memref<80x128xf32, #tpu.memory_space<hbm>>)
        tpu.yield
      }) : () -> ()
      "tpu.region"() ({
        %run_scoped3A = tpu.sem_alloc : memref<!tpu.dma_semaphore, #tpu.memory_space<semaphore_mem>>
        %dma_start3A_25 = arith.constant 0 : i32
        %dma_start3A_26 = tpu.memref_slice %arg6[%add3A_13, %dma_start3A_25] : memref<320000x128xf32, #tpu.memory_space<hbm>> -> memref<80x128xf32, #tpu.memory_space<hbm>>
        %dma_start3A_27 = arith.constant 0 : i32
        %dma_start3A_28 = tpu.memref_slice %arg6[%add3A_13, %dma_start3A_27] : memref<320000x128xf32, #tpu.memory_space<hbm>> -> memref<80x128xf32, #tpu.memory_space<hbm>>
        tpu.enqueue_dma source(%arg10 : memref<80x128xf32, #tpu.memory_space<vmem>>) target(%dma_start3A_28 : memref<80x128xf32, #tpu.memory_space<hbm>>) target_semaphore(%run_scoped3A : memref<!tpu.dma_semaphore, #tpu.memory_space<semaphore_mem>>)
        %dma_wait3A_29 = arith.constant 0 : i32
        %dma_wait3A_30 = tpu.memref_slice %arg6[%add3A_13, %dma_wait3A_29] : memref<320000x128xf32, #tpu.memory_space<hbm>> -> memref<80x128xf32, #tpu.memory_space<hbm>>
        %dma_wait3A_31 = arith.constant 0 : i32
        %dma_wait3A_32 = tpu.memref_slice %arg6[%add3A_13, %dma_wait3A_31] : memref<320000x128xf32, #tpu.memory_space<hbm>> -> memref<80x128xf32, #tpu.memory_space<hbm>>
        tpu.wait_dma2 semaphore(%run_scoped3A : memref<!tpu.dma_semaphore, #tpu.memory_space<semaphore_mem>>) src(%arg10 : memref<80x128xf32, #tpu.memory_space<vmem>>) dst(%dma_wait3A_32 : memref<80x128xf32, #tpu.memory_space<hbm>>)
        tpu.yield
      }) : () -> ()
      %scan3A_24 = arith.constant 0 : i32
      scf.yield %scan3A_24 : i32
    }
    %scan3A_8 = arith.constant 125 : i32
    return
  }
}

#map = affine_map<(d0, d1) -> (0)>
module attributes {stable_mosaic.version = 14 : i64} {
  func.func @k(%arg0: i32, %arg1: i32, %arg2: memref<51200000xf32, #tpu.memory_space<hbm>>, %arg3: memref<320000xi32, #tpu.memory_space<hbm>>, %arg4: memref<1638400xf32, #tpu.memory_space<hbm>>, %arg5: memref<1638400xf32, #tpu.memory_space<hbm>>, %arg6: memref<51200xf32, #tpu.memory_space<vmem>>, %arg7: memref<51200xf32, #tpu.memory_space<vmem>>, %arg8: memref<10000xf32, #tpu.memory_space<vmem>>, %arg9: memref<10000xf32, #tpu.memory_space<vmem>>, %arg10: memref<2000xi32, #tpu.memory_space<vmem>>, %arg11: memref<2000xi32, #tpu.memory_space<vmem>>, %arg12: memref<2048xi32, #tpu.memory_space<vmem>>, %arg13: memref<!tpu.dma_semaphore, #tpu.memory_space<semaphore_mem>>, %arg14: memref<!tpu.dma_semaphore, #tpu.memory_space<semaphore_mem>>, %arg15: memref<!tpu.dma_semaphore, #tpu.memory_space<semaphore_mem>>, %arg16: memref<!tpu.dma_semaphore, #tpu.memory_space<semaphore_mem>>) attributes {dimension_semantics = [#tpu.dimension_semantics<core_parallel>, #tpu.dimension_semantics<subcore_parallel>], iteration_bounds = array<i64: 2, 16>, scalar_prefetch = 0 : i64, scratch_operands = 11 : i64, tpu.core_type = #tpu.core_type<sc_vector_subcore>, window_params = [{transform_indices = #map}, {transform_indices = #map}, {transform_indices = #map}, {transform_indices = #map}]} {
    %mul3A = arith.constant 2 : i32
    %mul3A_0 = arith.muli %arg1, %mul3A : i32
    %add3A = arith.addi %mul3A_0, %arg0 : i32
    %mul3A_1 = arith.constant 5 : i32
    %mul3A_2 = arith.muli %add3A, %mul3A_1 : i32
    %broadcast_in_dim3A = arith.constant 0.000000e+00 : f32
    %broadcast_in_dim3A_3 = vector.broadcast %broadcast_in_dim3A : f32 to vector<16xf32>
    %broadcast_in_dim3A_4 = arith.constant 0xFF800000 : f32
    %broadcast_in_dim3A_5 = vector.broadcast %broadcast_in_dim3A_4 : f32 to vector<16xf32>
    %iota3A = tpu.iota {dimensions = array<i32: 0>} : vector<16xi32>
    %scan3A = arith.constant 0 : i32
    %scan3A_6 = arith.constant 0 : i32
    %scan3A_7 = arith.constant 3200 : i32
    %scan3A_8 = arith.addi %scan3A_6, %scan3A_7 : i32
    %scan3A_9 = arith.constant 1 : i32
    %scan3A_10 = scf.for %scan3A_68 = %scan3A_6 to %scan3A_8 step %scan3A_9 iter_args(%scan3A_69 = %scan3A) -> (i32)  : i32 {
      %mul3A_70 = arith.constant 16 : i32
      %mul3A_71 = arith.muli %scan3A_68, %mul3A_70 : i32
      %swap3A = arith.index_cast %mul3A_71 : i32 to index
      %swap3A_72 = tpu.vector_load %arg6[%swap3A] {strides = array<i32>} : memref<51200xf32, #tpu.memory_space<vmem>>, vector<16xf32>,
      tpu.vector_store %arg6[%swap3A], %broadcast_in_dim3A_3 {strides = array<i32>} : memref<51200xf32, #tpu.memory_space<vmem>>, vector<16xf32>,
      %mul3A_73 = arith.constant 16 : i32
      %mul3A_74 = arith.muli %scan3A_68, %mul3A_73 : i32
      %swap3A_75 = arith.index_cast %mul3A_74 : i32 to index
      %swap3A_76 = tpu.vector_load %arg7[%swap3A_75] {strides = array<i32>} : memref<51200xf32, #tpu.memory_space<vmem>>, vector<16xf32>,
      tpu.vector_store %arg7[%swap3A_75], %broadcast_in_dim3A_5 {strides = array<i32>} : memref<51200xf32, #tpu.memory_space<vmem>>, vector<16xf32>,
      %scan3A_77 = arith.constant 0 : i32
      scf.yield %scan3A_77 : i32
    }
    %scan3A_11 = arith.constant 3200 : i32
    %add3A_12 = arith.constant 0 : i32
    %add3A_13 = arith.addi %add3A_12, %mul3A_2 : i32
    %mul3A_14 = arith.constant 2000 : i32
    %mul3A_15 = arith.muli %add3A_13, %mul3A_14 : i32
    %dma_start3A = tpu.memref_slice %arg2[%mul3A_15] : memref<51200000xf32, #tpu.memory_space<hbm>> -> memref<10000xf32, #tpu.memory_space<hbm>>
    %dma_start3A_16 = tpu.memref_slice %arg2[%mul3A_15] : memref<51200000xf32, #tpu.memory_space<hbm>> -> memref<10000xf32, #tpu.memory_space<hbm>>
    tpu.enqueue_dma source(%dma_start3A_16 : memref<10000xf32, #tpu.memory_space<hbm>>) target(%arg8 : memref<10000xf32, #tpu.memory_space<vmem>>) target_semaphore(%arg13 : memref<!tpu.dma_semaphore, #tpu.memory_space<semaphore_mem>>)
    %dma_start3A_17 = arith.constant 0 : i32
    %dma_start3A_18 = tpu.memref_slice %arg3[%dma_start3A_17] : memref<320000xi32, #tpu.memory_space<hbm>> -> memref<2000xi32, #tpu.memory_space<hbm>>
    %dma_start3A_19 = arith.constant 0 : i32
    %dma_start3A_20 = tpu.memref_slice %arg3[%dma_start3A_19] : memref<320000xi32, #tpu.memory_space<hbm>> -> memref<2000xi32, #tpu.memory_space<hbm>>
    tpu.enqueue_dma source(%dma_start3A_20 : memref<2000xi32, #tpu.memory_space<hbm>>) target(%arg10 : memref<2000xi32, #tpu.memory_space<vmem>>) target_semaphore(%arg15 : memref<!tpu.dma_semaphore, #tpu.memory_space<semaphore_mem>>)
    %scan3A_21 = arith.constant 0 : i32
    %scan3A_22 = arith.constant 0 : i32
    %scan3A_23 = arith.constant 80 : i32
    %scan3A_24 = arith.addi %scan3A_22, %scan3A_23 : i32
    %scan3A_25 = arith.constant 1 : i32
    %scan3A_26 = scf.for %scan3A_68 = %scan3A_22 to %scan3A_24 step %scan3A_25 iter_args(%scan3A_69 = %scan3A_21) -> (i32)  : i32 {
      %mul3A_70 = arith.constant 2 : i32
      %mul3A_71 = arith.muli %mul3A_70, %scan3A_68 : i32
      %add3A_72 = arith.constant 0 : i32
      %add3A_73 = arith.addi %mul3A_71, %add3A_72 : i32
      %add3A_74 = arith.constant 1 : i32
      %add3A_75 = arith.addi %add3A_73, %add3A_74 : i32
      %lt3A = arith.constant 160 : i32
      %lt3A_76 = arith.cmpi slt, %add3A_75, %lt3A : i32
      %convert_element_type3A = arith.extui %lt3A_76 : i1 to i32
      %cond3A = arith.constant 0 : i32
      %cond3A_77 = arith.cmpi ne, %convert_element_type3A, %cond3A : i32
      scf.if %cond3A_77 {
        %add3A_119 = arith.constant 1 : i32
        %add3A_120 = arith.addi %add3A_73, %add3A_119 : i32
        %mul3A_121 = arith.constant 160 : i32
        %mul3A_122 = arith.muli %add3A_120, %mul3A_121 : i32
        %add3A_123 = arith.addi %mul3A_122, %mul3A_2 : i32
        %mul3A_124 = arith.constant 2000 : i32
        %mul3A_125 = arith.muli %add3A_123, %mul3A_124 : i32
        %dma_start3A_126 = tpu.memref_slice %arg2[%mul3A_125] : memref<51200000xf32, #tpu.memory_space<hbm>> -> memref<10000xf32, #tpu.memory_space<hbm>>
        %dma_start3A_127 = tpu.memref_slice %arg2[%mul3A_125] : memref<51200000xf32, #tpu.memory_space<hbm>> -> memref<10000xf32, #tpu.memory_space<hbm>>
        tpu.enqueue_dma source(%dma_start3A_127 : memref<10000xf32, #tpu.memory_space<hbm>>) target(%arg9 : memref<10000xf32, #tpu.memory_space<vmem>>) target_semaphore(%arg14 : memref<!tpu.dma_semaphore, #tpu.memory_space<semaphore_mem>>)
        %mul3A_128 = arith.constant 2000 : i32
        %mul3A_129 = arith.muli %add3A_120, %mul3A_128 : i32
        %dma_start3A_130 = tpu.memref_slice %arg3[%mul3A_129] : memref<320000xi32, #tpu.memory_space<hbm>> -> memref<2000xi32, #tpu.memory_space<hbm>>
        %dma_start3A_131 = tpu.memref_slice %arg3[%mul3A_129] : memref<320000xi32, #tpu.memory_space<hbm>> -> memref<2000xi32, #tpu.memory_space<hbm>>
        tpu.enqueue_dma source(%dma_start3A_131 : memref<2000xi32, #tpu.memory_space<hbm>>) target(%arg11 : memref<2000xi32, #tpu.memory_space<vmem>>) target_semaphore(%arg16 : memref<!tpu.dma_semaphore, #tpu.memory_space<semaphore_mem>>)
      } else {
      }
      %mul3A_78 = arith.constant 2000 : i32
      %mul3A_79 = arith.muli %mul3A_2, %mul3A_78 : i32
      %dma_wait3A = tpu.memref_slice %arg2[%mul3A_79] : memref<51200000xf32, #tpu.memory_space<hbm>> -> memref<10000xf32, #tpu.memory_space<hbm>>
      %dma_wait3A_80 = tpu.memref_slice %arg2[%mul3A_79] : memref<51200000xf32, #tpu.memory_space<hbm>> -> memref<10000xf32, #tpu.memory_space<hbm>>
      tpu.wait_dma2 semaphore(%arg13 : memref<!tpu.dma_semaphore, #tpu.memory_space<semaphore_mem>>) src(%dma_wait3A_80 : memref<10000xf32, #tpu.memory_space<hbm>>) dst(%arg8 : memref<10000xf32, #tpu.memory_space<vmem>>)
      %dma_wait3A_81 = arith.constant 0 : i32
      %dma_wait3A_82 = tpu.memref_slice %arg3[%dma_wait3A_81] : memref<320000xi32, #tpu.memory_space<hbm>> -> memref<2000xi32, #tpu.memory_space<hbm>>
      %dma_wait3A_83 = arith.constant 0 : i32
      %dma_wait3A_84 = tpu.memref_slice %arg3[%dma_wait3A_83] : memref<320000xi32, #tpu.memory_space<hbm>> -> memref<2000xi32, #tpu.memory_space<hbm>>
      tpu.wait_dma2 semaphore(%arg15 : memref<!tpu.dma_semaphore, #tpu.memory_space<semaphore_mem>>) src(%dma_wait3A_84 : memref<2000xi32, #tpu.memory_space<hbm>>) dst(%arg10 : memref<2000xi32, #tpu.memory_space<vmem>>)
      %scan3A_85 = arith.constant 0 : i32
      %scan3A_86 = arith.constant 0 : i32
      %scan3A_87 = arith.constant 125 : i32
      %scan3A_88 = arith.addi %scan3A_86, %scan3A_87 : i32
      %scan3A_89 = arith.constant 1 : i32
      %scan3A_90 = scf.for %scan3A_119 = %scan3A_86 to %scan3A_88 step %scan3A_89 iter_args(%scan3A_120 = %scan3A_85) -> (i32)  : i32 {
        %mul3A_121 = arith.constant 16 : i32
        %mul3A_122 = arith.muli %scan3A_119, %mul3A_121 : i32
        %get3A = arith.index_cast %mul3A_122 : i32 to index
        %get3A_123 = tpu.vector_load %arg10[%get3A] {strides = array<i32>} : memref<2000xi32, #tpu.memory_space<vmem>>, vector<16xi32>,
        %and3A = arith.constant 2047 : i32
        %and3A_124 = vector.broadcast %and3A : i32 to vector<16xi32>
        %and3A_125 = arith.andi %get3A_123, %and3A_124 : vector<16xi32>
        tpu.vector_store_idx %arg12[%and3A_125], %iota3A : memref<2048xi32, #tpu.memory_space<vmem>>[vector<16xi32>], vector<16xi32>,
        %gather3A = tpu.vector_load_idx %arg12[%and3A_125] : memref<2048xi32, #tpu.memory_space<vmem>>[vector<16xi32>], vector<16xi32>,
        %eq3A = arith.cmpi eq, %gather3A, %iota3A : vector<16xi32>
        %reduce_and3A = arith.constant 1.000000e+00 : f32
        %reduce_and3A_126 = arith.constant 0.000000e+00 : f32
        %reduce_and3A_127 = vector.broadcast %reduce_and3A : f32 to vector<16xf32>
        %reduce_and3A_128 = vector.broadcast %reduce_and3A_126 : f32 to vector<16xf32>
        %reduce_and3A_129 = arith.select %eq3A, %reduce_and3A_127, %reduce_and3A_128 : vector<16xi1>, vector<16xf32>
        %reduce_and3A_130 = arith.constant true
        %reduce_and3A_131 = vector.broadcast %reduce_and3A_130 : i1 to vector<16xi1>
        %reduce_and3A_132 = tpu.scan <min>, %reduce_and3A_129 masked %reduce_and3A_131 : vector<16xf32>, vector<16xi1> -> vector<16xf32>
        %reduce_and3A_133 = vector.extract %reduce_and3A_132[15] : f32 from vector<16xf32>
        %reduce_and3A_134 = arith.constant 0.000000e+00 : f32
        %reduce_and3A_135 = arith.cmpf ogt, %reduce_and3A_133, %reduce_and3A_134 : f32
        %convert_element_type3A_136 = arith.extui %reduce_and3A_135 : i1 to i32
        %cond3A_137 = arith.constant 0 : i32
        %cond3A_138 = arith.cmpi ne, %convert_element_type3A_136, %cond3A_137 : i32
        scf.if %cond3A_138 {
          %add3A_144 = arith.constant 0 : i32
          %add3A_145 = vector.broadcast %add3A_144 : i32 to vector<16xi32>
          %add3A_146 = arith.addi %get3A_123, %add3A_145 : vector<16xi32>
          %mul3A_147 = arith.constant 16 : i32
          %mul3A_148 = arith.muli %scan3A_119, %mul3A_147 : i32
          %add3A_149 = arith.constant 0 : i32
          %add3A_150 = arith.addi %add3A_149, %mul3A_148 : i32
          %get3A_151 = arith.index_cast %add3A_150 : i32 to index
          %get3A_152 = tpu.vector_load %arg8[%get3A_151] {strides = array<i32>} : memref<10000xf32, #tpu.memory_space<vmem>>, vector<16xf32>,
          tpu.vector_store_idx %arg6[%add3A_146], %get3A_152 {add = true} : memref<51200xf32, #tpu.memory_space<vmem>>[vector<16xi32>], vector<16xf32>,
          %gather3A_153 = tpu.vector_load_idx %arg7[%add3A_146] : memref<51200xf32, #tpu.memory_space<vmem>>[vector<16xi32>], vector<16xf32>,
          %gt3A = arith.cmpf ogt, %get3A_152, %gather3A_153 : vector<16xf32>
          tpu.vector_store_idx %arg7[%add3A_146], %get3A_152 masked %gt3A : memref<51200xf32, #tpu.memory_space<vmem>>[vector<16xi32>], vector<16xf32>, vector<16xi1>
          %add3A_154 = arith.constant 10240 : i32
          %add3A_155 = vector.broadcast %add3A_154 : i32 to vector<16xi32>
          %add3A_156 = arith.addi %get3A_123, %add3A_155 : vector<16xi32>
          %mul3A_157 = arith.constant 16 : i32
          %mul3A_158 = arith.muli %scan3A_119, %mul3A_157 : i32
          %add3A_159 = arith.constant 2000 : i32
          %add3A_160 = arith.addi %add3A_159, %mul3A_158 : i32
          %get3A_161 = arith.index_cast %add3A_160 : i32 to index
          %get3A_162 = tpu.vector_load %arg8[%get3A_161] {strides = array<i32>} : memref<10000xf32, #tpu.memory_space<vmem>>, vector<16xf32>,
          tpu.vector_store_idx %arg6[%add3A_156], %get3A_162 {add = true} : memref<51200xf32, #tpu.memory_space<vmem>>[vector<16xi32>], vector<16xf32>,
          %gather3A_163 = tpu.vector_load_idx %arg7[%add3A_156] : memref<51200xf32, #tpu.memory_space<vmem>>[vector<16xi32>], vector<16xf32>,
          %gt3A_164 = arith.cmpf ogt, %get3A_162, %gather3A_163 : vector<16xf32>
          tpu.vector_store_idx %arg7[%add3A_156], %get3A_162 masked %gt3A_164 : memref<51200xf32, #tpu.memory_space<vmem>>[vector<16xi32>], vector<16xf32>, vector<16xi1>
          %add3A_165 = arith.constant 20480 : i32
          %add3A_166 = vector.broadcast %add3A_165 : i32 to vector<16xi32>
          %add3A_167 = arith.addi %get3A_123, %add3A_166 : vector<16xi32>
          %mul3A_168 = arith.constant 16 : i32
          %mul3A_169 = arith.muli %scan3A_119, %mul3A_168 : i32
          %add3A_170 = arith.constant 4000 : i32
          %add3A_171 = arith.addi %add3A_170, %mul3A_169 : i32
          %get3A_172 = arith.index_cast %add3A_171 : i32 to index
          %get3A_173 = tpu.vector_load %arg8[%get3A_172] {strides = array<i32>} : memref<10000xf32, #tpu.memory_space<vmem>>, vector<16xf32>,
          tpu.vector_store_idx %arg6[%add3A_167], %get3A_173 {add = true} : memref<51200xf32, #tpu.memory_space<vmem>>[vector<16xi32>], vector<16xf32>,
          %gather3A_174 = tpu.vector_load_idx %arg7[%add3A_167] : memref<51200xf32, #tpu.memory_space<vmem>>[vector<16xi32>], vector<16xf32>,
          %gt3A_175 = arith.cmpf ogt, %get3A_173, %gather3A_174 : vector<16xf32>
          tpu.vector_store_idx %arg7[%add3A_167], %get3A_173 masked %gt3A_175 : memref<51200xf32, #tpu.memory_space<vmem>>[vector<16xi32>], vector<16xf32>, vector<16xi1>
          %add3A_176 = arith.constant 30720 : i32
          %add3A_177 = vector.broadcast %add3A_176 : i32 to vector<16xi32>
          %add3A_178 = arith.addi %get3A_123, %add3A_177 : vector<16xi32>
          %mul3A_179 = arith.constant 16 : i32
          %mul3A_180 = arith.muli %scan3A_119, %mul3A_179 : i32
          %add3A_181 = arith.constant 6000 : i32
          %add3A_182 = arith.addi %add3A_181, %mul3A_180 : i32
          %get3A_183 = arith.index_cast %add3A_182 : i32 to index
          %get3A_184 = tpu.vector_load %arg8[%get3A_183] {strides = array<i32>} : memref<10000xf32, #tpu.memory_space<vmem>>, vector<16xf32>,
          tpu.vector_store_idx %arg6[%add3A_178], %get3A_184 {add = true} : memref<51200xf32, #tpu.memory_space<vmem>>[vector<16xi32>], vector<16xf32>,
          %gather3A_185 = tpu.vector_load_idx %arg7[%add3A_178] : memref<51200xf32, #tpu.memory_space<vmem>>[vector<16xi32>], vector<16xf32>,
          %gt3A_186 = arith.cmpf ogt, %get3A_184, %gather3A_185 : vector<16xf32>
          tpu.vector_store_idx %arg7[%add3A_178], %get3A_184 masked %gt3A_186 : memref<51200xf32, #tpu.memory_space<vmem>>[vector<16xi32>], vector<16xf32>, vector<16xi1>
          %add3A_187 = arith.constant 40960 : i32
          %add3A_188 = vector.broadcast %add3A_187 : i32 to vector<16xi32>
          %add3A_189 = arith.addi %get3A_123, %add3A_188 : vector<16xi32>
          %mul3A_190 = arith.constant 16 : i32
          %mul3A_191 = arith.muli %scan3A_119, %mul3A_190 : i32
          %add3A_192 = arith.constant 8000 : i32
          %add3A_193 = arith.addi %add3A_192, %mul3A_191 : i32
          %get3A_194 = arith.index_cast %add3A_193 : i32 to index
          %get3A_195 = tpu.vector_load %arg8[%get3A_194] {strides = array<i32>} : memref<10000xf32, #tpu.memory_space<vmem>>, vector<16xf32>,
          tpu.vector_store_idx %arg6[%add3A_189], %get3A_195 {add = true} : memref<51200xf32, #tpu.memory_space<vmem>>[vector<16xi32>], vector<16xf32>,
          %gather3A_196 = tpu.vector_load_idx %arg7[%add3A_189] : memref<51200xf32, #tpu.memory_space<vmem>>[vector<16xi32>], vector<16xf32>,
          %gt3A_197 = arith.cmpf ogt, %get3A_195, %gather3A_196 : vector<16xf32>
          tpu.vector_store_idx %arg7[%add3A_189], %get3A_195 masked %gt3A_197 : memref<51200xf32, #tpu.memory_space<vmem>>[vector<16xi32>], vector<16xf32>, vector<16xi1>
        } else {
        }
        %not3A = arith.constant true
        %not3A_139 = arith.xori %reduce_and3A_135, %not3A : i1
        %convert_element_type3A_140 = arith.extui %not3A_139 : i1 to i32
        %cond3A_141 = arith.constant 0 : i32
        %cond3A_142 = arith.cmpi ne, %convert_element_type3A_140, %cond3A_141 : i32
        scf.if %cond3A_142 {
          %add3A_144 = arith.constant 0 : i32
          %add3A_145 = vector.broadcast %add3A_144 : i32 to vector<16xi32>
          %add3A_146 = arith.addi %get3A_123, %add3A_145 : vector<16xi32>
          %mul3A_147 = arith.constant 16 : i32
          %mul3A_148 = arith.muli %scan3A_119, %mul3A_147 : i32
          %add3A_149 = arith.constant 0 : i32
          %add3A_150 = arith.addi %add3A_149, %mul3A_148 : i32
          %get3A_151 = arith.index_cast %add3A_150 : i32 to index
          %get3A_152 = tpu.vector_load %arg8[%get3A_151] {strides = array<i32>} : memref<10000xf32, #tpu.memory_space<vmem>>, vector<16xf32>,
          tpu.vector_store_idx %arg6[%add3A_146], %get3A_152 {add = true} : memref<51200xf32, #tpu.memory_space<vmem>>[vector<16xi32>], vector<16xf32>,
          %gather3A_153 = tpu.vector_load_idx %arg7[%add3A_146] : memref<51200xf32, #tpu.memory_space<vmem>>[vector<16xi32>], vector<16xf32>,
          %gt3A = arith.cmpf ogt, %get3A_152, %gather3A_153 : vector<16xf32>
          tpu.vector_store_idx %arg7[%add3A_146], %get3A_152 masked %gt3A : memref<51200xf32, #tpu.memory_space<vmem>>[vector<16xi32>], vector<16xf32>, vector<16xi1>
          %gather3A_154 = tpu.vector_load_idx %arg7[%add3A_146] : memref<51200xf32, #tpu.memory_space<vmem>>[vector<16xi32>], vector<16xf32>,
          %lt3A_155 = arith.cmpf olt, %gather3A_154, %get3A_152 : vector<16xf32>
          tpu.vector_store_idx %arg7[%add3A_146], %get3A_152 masked %lt3A_155 : memref<51200xf32, #tpu.memory_space<vmem>>[vector<16xi32>], vector<16xf32>, vector<16xi1>
          %gather3A_156 = tpu.vector_load_idx %arg7[%add3A_146] : memref<51200xf32, #tpu.memory_space<vmem>>[vector<16xi32>], vector<16xf32>,
          %lt3A_157 = arith.cmpf olt, %gather3A_156, %get3A_152 : vector<16xf32>
          tpu.vector_store_idx %arg7[%add3A_146], %get3A_152 masked %lt3A_157 : memref<51200xf32, #tpu.memory_space<vmem>>[vector<16xi32>], vector<16xf32>, vector<16xi1>
          %gather3A_158 = tpu.vector_load_idx %arg7[%add3A_146] : memref<51200xf32, #tpu.memory_space<vmem>>[vector<16xi32>], vector<16xf32>,
          %lt3A_159 = arith.cmpf olt, %gather3A_158, %get3A_152 : vector<16xf32>
          tpu.vector_store_idx %arg7[%add3A_146], %get3A_152 masked %lt3A_159 : memref<51200xf32, #tpu.memory_space<vmem>>[vector<16xi32>], vector<16xf32>, vector<16xi1>
          %gather3A_160 = tpu.vector_load_idx %arg7[%add3A_146] : memref<51200xf32, #tpu.memory_space<vmem>>[vector<16xi32>], vector<16xf32>,
          %lt3A_161 = arith.cmpf olt, %gather3A_160, %get3A_152 : vector<16xf32>
          %add3A_162 = arith.constant 10240 : i32
          %add3A_163 = vector.broadcast %add3A_162 : i32 to vector<16xi32>
          %add3A_164 = arith.addi %get3A_123, %add3A_163 : vector<16xi32>
          %mul3A_165 = arith.constant 16 : i32
          %mul3A_166 = arith.muli %scan3A_119, %mul3A_165 : i32
          %add3A_167 = arith.constant 2000 : i32
          %add3A_168 = arith.addi %add3A_167, %mul3A_166 : i32
          %get3A_169 = arith.index_cast %add3A_168 : i32 to index
          %get3A_170 = tpu.vector_load %arg8[%get3A_169] {strides = array<i32>} : memref<10000xf32, #tpu.memory_space<vmem>>, vector<16xf32>,
          tpu.vector_store_idx %arg6[%add3A_164], %get3A_170 {add = true} : memref<51200xf32, #tpu.memory_space<vmem>>[vector<16xi32>], vector<16xf32>,
          %gather3A_171 = tpu.vector_load_idx %arg7[%add3A_164] : memref<51200xf32, #tpu.memory_space<vmem>>[vector<16xi32>], vector<16xf32>,
          %gt3A_172 = arith.cmpf ogt, %get3A_170, %gather3A_171 : vector<16xf32>
          tpu.vector_store_idx %arg7[%add3A_164], %get3A_170 masked %gt3A_172 : memref<51200xf32, #tpu.memory_space<vmem>>[vector<16xi32>], vector<16xf32>, vector<16xi1>
          %gather3A_173 = tpu.vector_load_idx %arg7[%add3A_164] : memref<51200xf32, #tpu.memory_space<vmem>>[vector<16xi32>], vector<16xf32>,
          %lt3A_174 = arith.cmpf olt, %gather3A_173, %get3A_170 : vector<16xf32>
          tpu.vector_store_idx %arg7[%add3A_164], %get3A_170 masked %lt3A_174 : memref<51200xf32, #tpu.memory_space<vmem>>[vector<16xi32>], vector<16xf32>, vector<16xi1>
          %gather3A_175 = tpu.vector_load_idx %arg7[%add3A_164] : memref<51200xf32, #tpu.memory_space<vmem>>[vector<16xi32>], vector<16xf32>,
          %lt3A_176 = arith.cmpf olt, %gather3A_175, %get3A_170 : vector<16xf32>
          tpu.vector_store_idx %arg7[%add3A_164], %get3A_170 masked %lt3A_176 : memref<51200xf32, #tpu.memory_space<vmem>>[vector<16xi32>], vector<16xf32>, vector<16xi1>
          %gather3A_177 = tpu.vector_load_idx %arg7[%add3A_164] : memref<51200xf32, #tpu.memory_space<vmem>>[vector<16xi32>], vector<16xf32>,
          %lt3A_178 = arith.cmpf olt, %gather3A_177, %get3A_170 : vector<16xf32>
          tpu.vector_store_idx %arg7[%add3A_164], %get3A_170 masked %lt3A_178 : memref<51200xf32, #tpu.memory_space<vmem>>[vector<16xi32>], vector<16xf32>, vector<16xi1>
          %gather3A_179 = tpu.vector_load_idx %arg7[%add3A_164] : memref<51200xf32, #tpu.memory_space<vmem>>[vector<16xi32>], vector<16xf32>,
          %lt3A_180 = arith.cmpf olt, %gather3A_179, %get3A_170 : vector<16xf32>
          %add3A_181 = arith.constant 20480 : i32
          %add3A_182 = vector.broadcast %add3A_181 : i32 to vector<16xi32>
          %add3A_183 = arith.addi %get3A_123, %add3A_182 : vector<16xi32>
          %mul3A_184 = arith.constant 16 : i32
          %mul3A_185 = arith.muli %scan3A_119, %mul3A_184 : i32
          %add3A_186 = arith.constant 4000 : i32
          %add3A_187 = arith.addi %add3A_186, %mul3A_185 : i32
          %get3A_188 = arith.index_cast %add3A_187 : i32 to index
          %get3A_189 = tpu.vector_load %arg8[%get3A_188] {strides = array<i32>} : memref<10000xf32, #tpu.memory_space<vmem>>, vector<16xf32>,
          tpu.vector_store_idx %arg6[%add3A_183], %get3A_189 {add = true} : memref<51200xf32, #tpu.memory_space<vmem>>[vector<16xi32>], vector<16xf32>,
          %gather3A_190 = tpu.vector_load_idx %arg7[%add3A_183] : memref<51200xf32, #tpu.memory_space<vmem>>[vector<16xi32>], vector<16xf32>,
          %gt3A_191 = arith.cmpf ogt, %get3A_189, %gather3A_190 : vector<16xf32>
          tpu.vector_store_idx %arg7[%add3A_183], %get3A_189 masked %gt3A_191 : memref<51200xf32, #tpu.memory_space<vmem>>[vector<16xi32>], vector<16xf32>, vector<16xi1>
          %gather3A_192 = tpu.vector_load_idx %arg7[%add3A_183] : memref<51200xf32, #tpu.memory_space<vmem>>[vector<16xi32>], vector<16xf32>,
          %lt3A_193 = arith.cmpf olt, %gather3A_192, %get3A_189 : vector<16xf32>
          tpu.vector_store_idx %arg7[%add3A_183], %get3A_189 masked %lt3A_193 : memref<51200xf32, #tpu.memory_space<vmem>>[vector<16xi32>], vector<16xf32>, vector<16xi1>
          %gather3A_194 = tpu.vector_load_idx %arg7[%add3A_183] : memref<51200xf32, #tpu.memory_space<vmem>>[vector<16xi32>], vector<16xf32>,
          %lt3A_195 = arith.cmpf olt, %gather3A_194, %get3A_189 : vector<16xf32>
          tpu.vector_store_idx %arg7[%add3A_183], %get3A_189 masked %lt3A_195 : memref<51200xf32, #tpu.memory_space<vmem>>[vector<16xi32>], vector<16xf32>, vector<16xi1>
          %gather3A_196 = tpu.vector_load_idx %arg7[%add3A_183] : memref<51200xf32, #tpu.memory_space<vmem>>[vector<16xi32>], vector<16xf32>,
          %lt3A_197 = arith.cmpf olt, %gather3A_196, %get3A_189 : vector<16xf32>
          tpu.vector_store_idx %arg7[%add3A_183], %get3A_189 masked %lt3A_197 : memref<51200xf32, #tpu.memory_space<vmem>>[vector<16xi32>], vector<16xf32>, vector<16xi1>
          %gather3A_198 = tpu.vector_load_idx %arg7[%add3A_183] : memref<51200xf32, #tpu.memory_space<vmem>>[vector<16xi32>], vector<16xf32>,
          %lt3A_199 = arith.cmpf olt, %gather3A_198, %get3A_189 : vector<16xf32>
          %add3A_200 = arith.constant 30720 : i32
          %add3A_201 = vector.broadcast %add3A_200 : i32 to vector<16xi32>
          %add3A_202 = arith.addi %get3A_123, %add3A_201 : vector<16xi32>
          %mul3A_203 = arith.constant 16 : i32
          %mul3A_204 = arith.muli %scan3A_119, %mul3A_203 : i32
          %add3A_205 = arith.constant 6000 : i32
          %add3A_206 = arith.addi %add3A_205, %mul3A_204 : i32
          %get3A_207 = arith.index_cast %add3A_206 : i32 to index
          %get3A_208 = tpu.vector_load %arg8[%get3A_207] {strides = array<i32>} : memref<10000xf32, #tpu.memory_space<vmem>>, vector<16xf32>,
          tpu.vector_store_idx %arg6[%add3A_202], %get3A_208 {add = true} : memref<51200xf32, #tpu.memory_space<vmem>>[vector<16xi32>], vector<16xf32>,
          %gather3A_209 = tpu.vector_load_idx %arg7[%add3A_202] : memref<51200xf32, #tpu.memory_space<vmem>>[vector<16xi32>], vector<16xf32>,
          %gt3A_210 = arith.cmpf ogt, %get3A_208, %gather3A_209 : vector<16xf32>
          tpu.vector_store_idx %arg7[%add3A_202], %get3A_208 masked %gt3A_210 : memref<51200xf32, #tpu.memory_space<vmem>>[vector<16xi32>], vector<16xf32>, vector<16xi1>
          %gather3A_211 = tpu.vector_load_idx %arg7[%add3A_202] : memref<51200xf32, #tpu.memory_space<vmem>>[vector<16xi32>], vector<16xf32>,
          %lt3A_212 = arith.cmpf olt, %gather3A_211, %get3A_208 : vector<16xf32>
          tpu.vector_store_idx %arg7[%add3A_202], %get3A_208 masked %lt3A_212 : memref<51200xf32, #tpu.memory_space<vmem>>[vector<16xi32>], vector<16xf32>, vector<16xi1>
          %gather3A_213 = tpu.vector_load_idx %arg7[%add3A_202] : memref<51200xf32, #tpu.memory_space<vmem>>[vector<16xi32>], vector<16xf32>,
          %lt3A_214 = arith.cmpf olt, %gather3A_213, %get3A_208 : vector<16xf32>
          tpu.vector_store_idx %arg7[%add3A_202], %get3A_208 masked %lt3A_214 : memref<51200xf32, #tpu.memory_space<vmem>>[vector<16xi32>], vector<16xf32>, vector<16xi1>
          %gather3A_215 = tpu.vector_load_idx %arg7[%add3A_202] : memref<51200xf32, #tpu.memory_space<vmem>>[vector<16xi32>], vector<16xf32>,
          %lt3A_216 = arith.cmpf olt, %gather3A_215, %get3A_208 : vector<16xf32>
          tpu.vector_store_idx %arg7[%add3A_202], %get3A_208 masked %lt3A_216 : memref<51200xf32, #tpu.memory_space<vmem>>[vector<16xi32>], vector<16xf32>, vector<16xi1>
          %gather3A_217 = tpu.vector_load_idx %arg7[%add3A_202] : memref<51200xf32, #tpu.memory_space<vmem>>[vector<16xi32>], vector<16xf32>,
          %lt3A_218 = arith.cmpf olt, %gather3A_217, %get3A_208 : vector<16xf32>
          %add3A_219 = arith.constant 40960 : i32
          %add3A_220 = vector.broadcast %add3A_219 : i32 to vector<16xi32>
          %add3A_221 = arith.addi %get3A_123, %add3A_220 : vector<16xi32>
          %mul3A_222 = arith.constant 16 : i32
          %mul3A_223 = arith.muli %scan3A_119, %mul3A_222 : i32
          %add3A_224 = arith.constant 8000 : i32
          %add3A_225 = arith.addi %add3A_224, %mul3A_223 : i32
          %get3A_226 = arith.index_cast %add3A_225 : i32 to index
          %get3A_227 = tpu.vector_load %arg8[%get3A_226] {strides = array<i32>} : memref<10000xf32, #tpu.memory_space<vmem>>, vector<16xf32>,
          tpu.vector_store_idx %arg6[%add3A_221], %get3A_227 {add = true} : memref<51200xf32, #tpu.memory_space<vmem>>[vector<16xi32>], vector<16xf32>,
          %gather3A_228 = tpu.vector_load_idx %arg7[%add3A_221] : memref<51200xf32, #tpu.memory_space<vmem>>[vector<16xi32>], vector<16xf32>,
          %gt3A_229 = arith.cmpf ogt, %get3A_227, %gather3A_228 : vector<16xf32>
          tpu.vector_store_idx %arg7[%add3A_221], %get3A_227 masked %gt3A_229 : memref<51200xf32, #tpu.memory_space<vmem>>[vector<16xi32>], vector<16xf32>, vector<16xi1>
          %gather3A_230 = tpu.vector_load_idx %arg7[%add3A_221] : memref<51200xf32, #tpu.memory_space<vmem>>[vector<16xi32>], vector<16xf32>,
          %lt3A_231 = arith.cmpf olt, %gather3A_230, %get3A_227 : vector<16xf32>
          tpu.vector_store_idx %arg7[%add3A_221], %get3A_227 masked %lt3A_231 : memref<51200xf32, #tpu.memory_space<vmem>>[vector<16xi32>], vector<16xf32>, vector<16xi1>
          %gather3A_232 = tpu.vector_load_idx %arg7[%add3A_221] : memref<51200xf32, #tpu.memory_space<vmem>>[vector<16xi32>], vector<16xf32>,
          %lt3A_233 = arith.cmpf olt, %gather3A_232, %get3A_227 : vector<16xf32>
          tpu.vector_store_idx %arg7[%add3A_221], %get3A_227 masked %lt3A_233 : memref<51200xf32, #tpu.memory_space<vmem>>[vector<16xi32>], vector<16xf32>, vector<16xi1>
          %gather3A_234 = tpu.vector_load_idx %arg7[%add3A_221] : memref<51200xf32, #tpu.memory_space<vmem>>[vector<16xi32>], vector<16xf32>,
          %lt3A_235 = arith.cmpf olt, %gather3A_234, %get3A_227 : vector<16xf32>
          tpu.vector_store_idx %arg7[%add3A_221], %get3A_227 masked %lt3A_235 : memref<51200xf32, #tpu.memory_space<vmem>>[vector<16xi32>], vector<16xf32>, vector<16xi1>
          %gather3A_236 = tpu.vector_load_idx %arg7[%add3A_221] : memref<51200xf32, #tpu.memory_space<vmem>>[vector<16xi32>], vector<16xf32>,
          %lt3A_237 = arith.cmpf olt, %gather3A_236, %get3A_227 : vector<16xf32>
        } else {
        }
        %scan3A_143 = arith.constant 0 : i32
        scf.yield %scan3A_143 : i32
      }
      %scan3A_91 = arith.constant 125 : i32
      %mul3A_92 = arith.constant 2 : i32
      %mul3A_93 = arith.muli %mul3A_92, %scan3A_68 : i32
      %add3A_94 = arith.constant 1 : i32
      %add3A_95 = arith.addi %mul3A_93, %add3A_94 : i32
      %add3A_96 = arith.constant 1 : i32
      %add3A_97 = arith.addi %add3A_95, %add3A_96 : i32
      %lt3A_98 = arith.constant 160 : i32
      %lt3A_99 = arith.cmpi slt, %add3A_97, %lt3A_98 : i32
      %convert_element_type3A_100 = arith.extui %lt3A_99 : i1 to i32
      %cond3A_101 = arith.constant 0 : i32
      %cond3A_102 = arith.cmpi ne, %convert_element_type3A_100, %cond3A_101 : i32
      scf.if %cond3A_102 {
        %add3A_119 = arith.constant 1 : i32
        %add3A_120 = arith.addi %add3A_95, %add3A_119 : i32
        %mul3A_121 = arith.constant 160 : i32
        %mul3A_122 = arith.muli %add3A_120, %mul3A_121 : i32
        %add3A_123 = arith.addi %mul3A_122, %mul3A_2 : i32
        %mul3A_124 = arith.constant 2000 : i32
        %mul3A_125 = arith.muli %add3A_123, %mul3A_124 : i32
        %dma_start3A_126 = tpu.memref_slice %arg2[%mul3A_125] : memref<51200000xf32, #tpu.memory_space<hbm>> -> memref<10000xf32, #tpu.memory_space<hbm>>
        %dma_start3A_127 = tpu.memref_slice %arg2[%mul3A_125] : memref<51200000xf32, #tpu.memory_space<hbm>> -> memref<10000xf32, #tpu.memory_space<hbm>>
        tpu.enqueue_dma source(%dma_start3A_127 : memref<10000xf32, #tpu.memory_space<hbm>>) target(%arg8 : memref<10000xf32, #tpu.memory_space<vmem>>) target_semaphore(%arg13 : memref<!tpu.dma_semaphore, #tpu.memory_space<semaphore_mem>>)
        %mul3A_128 = arith.constant 2000 : i32
        %mul3A_129 = arith.muli %add3A_120, %mul3A_128 : i32
        %dma_start3A_130 = tpu.memref_slice %arg3[%mul3A_129] : memref<320000xi32, #tpu.memory_space<hbm>> -> memref<2000xi32, #tpu.memory_space<hbm>>
        %dma_start3A_131 = tpu.memref_slice %arg3[%mul3A_129] : memref<320000xi32, #tpu.memory_space<hbm>> -> memref<2000xi32, #tpu.memory_space<hbm>>
        tpu.enqueue_dma source(%dma_start3A_131 : memref<2000xi32, #tpu.memory_space<hbm>>) target(%arg10 : memref<2000xi32, #tpu.memory_space<vmem>>) target_semaphore(%arg15 : memref<!tpu.dma_semaphore, #tpu.memory_space<semaphore_mem>>)
      } else {
      }
      %mul3A_103 = arith.constant 2000 : i32
      %mul3A_104 = arith.muli %mul3A_2, %mul3A_103 : i32
      %dma_wait3A_105 = tpu.memref_slice %arg2[%mul3A_104] : memref<51200000xf32, #tpu.memory_space<hbm>> -> memref<10000xf32, #tpu.memory_space<hbm>>
      %dma_wait3A_106 = tpu.memref_slice %arg2[%mul3A_104] : memref<51200000xf32, #tpu.memory_space<hbm>> -> memref<10000xf32, #tpu.memory_space<hbm>>
      tpu.wait_dma2 semaphore(%arg14 : memref<!tpu.dma_semaphore, #tpu.memory_space<semaphore_mem>>) src(%dma_wait3A_106 : memref<10000xf32, #tpu.memory_space<hbm>>) dst(%arg9 : memref<10000xf32, #tpu.memory_space<vmem>>)
      %dma_wait3A_107 = arith.constant 0 : i32
      %dma_wait3A_108 = tpu.memref_slice %arg3[%dma_wait3A_107] : memref<320000xi32, #tpu.memory_space<hbm>> -> memref<2000xi32, #tpu.memory_space<hbm>>
      %dma_wait3A_109 = arith.constant 0 : i32
      %dma_wait3A_110 = tpu.memref_slice %arg3[%dma_wait3A_109] : memref<320000xi32, #tpu.memory_space<hbm>> -> memref<2000xi32, #tpu.memory_space<hbm>>
      tpu.wait_dma2 semaphore(%arg16 : memref<!tpu.dma_semaphore, #tpu.memory_space<semaphore_mem>>) src(%dma_wait3A_110 : memref<2000xi32, #tpu.memory_space<hbm>>) dst(%arg11 : memref<2000xi32, #tpu.memory_space<vmem>>)
      %scan3A_111 = arith.constant 0 : i32
      %scan3A_112 = arith.constant 0 : i32
      %scan3A_113 = arith.constant 125 : i32
      %scan3A_114 = arith.addi %scan3A_112, %scan3A_113 : i32
      %scan3A_115 = arith.constant 1 : i32
      %scan3A_116 = scf.for %scan3A_119 = %scan3A_112 to %scan3A_114 step %scan3A_115 iter_args(%scan3A_120 = %scan3A_111) -> (i32)  : i32 {
        %mul3A_121 = arith.constant 16 : i32
        %mul3A_122 = arith.muli %scan3A_119, %mul3A_121 : i32
        %get3A = arith.index_cast %mul3A_122 : i32 to index
        %get3A_123 = tpu.vector_load %arg11[%get3A] {strides = array<i32>} : memref<2000xi32, #tpu.memory_space<vmem>>, vector<16xi32>,
        %and3A = arith.constant 2047 : i32
        %and3A_124 = vector.broadcast %and3A : i32 to vector<16xi32>
        %and3A_125 = arith.andi %get3A_123, %and3A_124 : vector<16xi32>
        tpu.vector_store_idx %arg12[%and3A_125], %iota3A : memref<2048xi32, #tpu.memory_space<vmem>>[vector<16xi32>], vector<16xi32>,
        %gather3A = tpu.vector_load_idx %arg12[%and3A_125] : memref<2048xi32, #tpu.memory_space<vmem>>[vector<16xi32>], vector<16xi32>,
        %eq3A = arith.cmpi eq, %gather3A, %iota3A : vector<16xi32>
        %reduce_and3A = arith.constant 1.000000e+00 : f32
        %reduce_and3A_126 = arith.constant 0.000000e+00 : f32
        %reduce_and3A_127 = vector.broadcast %reduce_and3A : f32 to vector<16xf32>
        %reduce_and3A_128 = vector.broadcast %reduce_and3A_126 : f32 to vector<16xf32>
        %reduce_and3A_129 = arith.select %eq3A, %reduce_and3A_127, %reduce_and3A_128 : vector<16xi1>, vector<16xf32>
        %reduce_and3A_130 = arith.constant true
        %reduce_and3A_131 = vector.broadcast %reduce_and3A_130 : i1 to vector<16xi1>
        %reduce_and3A_132 = tpu.scan <min>, %reduce_and3A_129 masked %reduce_and3A_131 : vector<16xf32>, vector<16xi1> -> vector<16xf32>
        %reduce_and3A_133 = vector.extract %reduce_and3A_132[15] : f32 from vector<16xf32>
        %reduce_and3A_134 = arith.constant 0.000000e+00 : f32
        %reduce_and3A_135 = arith.cmpf ogt, %reduce_and3A_133, %reduce_and3A_134 : f32
        %convert_element_type3A_136 = arith.extui %reduce_and3A_135 : i1 to i32
        %cond3A_137 = arith.constant 0 : i32
        %cond3A_138 = arith.cmpi ne, %convert_element_type3A_136, %cond3A_137 : i32
        scf.if %cond3A_138 {
          %add3A_144 = arith.constant 0 : i32
          %add3A_145 = vector.broadcast %add3A_144 : i32 to vector<16xi32>
          %add3A_146 = arith.addi %get3A_123, %add3A_145 : vector<16xi32>
          %mul3A_147 = arith.constant 16 : i32
          %mul3A_148 = arith.muli %scan3A_119, %mul3A_147 : i32
          %add3A_149 = arith.constant 0 : i32
          %add3A_150 = arith.addi %add3A_149, %mul3A_148 : i32
          %get3A_151 = arith.index_cast %add3A_150 : i32 to index
          %get3A_152 = tpu.vector_load %arg9[%get3A_151] {strides = array<i32>} : memref<10000xf32, #tpu.memory_space<vmem>>, vector<16xf32>,
          tpu.vector_store_idx %arg6[%add3A_146], %get3A_152 {add = true} : memref<51200xf32, #tpu.memory_space<vmem>>[vector<16xi32>], vector<16xf32>,
          %gather3A_153 = tpu.vector_load_idx %arg7[%add3A_146] : memref<51200xf32, #tpu.memory_space<vmem>>[vector<16xi32>], vector<16xf32>,
          %gt3A = arith.cmpf ogt, %get3A_152, %gather3A_153 : vector<16xf32>
          tpu.vector_store_idx %arg7[%add3A_146], %get3A_152 masked %gt3A : memref<51200xf32, #tpu.memory_space<vmem>>[vector<16xi32>], vector<16xf32>, vector<16xi1>
          %add3A_154 = arith.constant 10240 : i32
          %add3A_155 = vector.broadcast %add3A_154 : i32 to vector<16xi32>
          %add3A_156 = arith.addi %get3A_123, %add3A_155 : vector<16xi32>
          %mul3A_157 = arith.constant 16 : i32
          %mul3A_158 = arith.muli %scan3A_119, %mul3A_157 : i32
          %add3A_159 = arith.constant 2000 : i32
          %add3A_160 = arith.addi %add3A_159, %mul3A_158 : i32
          %get3A_161 = arith.index_cast %add3A_160 : i32 to index
          %get3A_162 = tpu.vector_load %arg9[%get3A_161] {strides = array<i32>} : memref<10000xf32, #tpu.memory_space<vmem>>, vector<16xf32>,
          tpu.vector_store_idx %arg6[%add3A_156], %get3A_162 {add = true} : memref<51200xf32, #tpu.memory_space<vmem>>[vector<16xi32>], vector<16xf32>,
          %gather3A_163 = tpu.vector_load_idx %arg7[%add3A_156] : memref<51200xf32, #tpu.memory_space<vmem>>[vector<16xi32>], vector<16xf32>,
          %gt3A_164 = arith.cmpf ogt, %get3A_162, %gather3A_163 : vector<16xf32>
          tpu.vector_store_idx %arg7[%add3A_156], %get3A_162 masked %gt3A_164 : memref<51200xf32, #tpu.memory_space<vmem>>[vector<16xi32>], vector<16xf32>, vector<16xi1>
          %add3A_165 = arith.constant 20480 : i32
          %add3A_166 = vector.broadcast %add3A_165 : i32 to vector<16xi32>
          %add3A_167 = arith.addi %get3A_123, %add3A_166 : vector<16xi32>
          %mul3A_168 = arith.constant 16 : i32
          %mul3A_169 = arith.muli %scan3A_119, %mul3A_168 : i32
          %add3A_170 = arith.constant 4000 : i32
          %add3A_171 = arith.addi %add3A_170, %mul3A_169 : i32
          %get3A_172 = arith.index_cast %add3A_171 : i32 to index
          %get3A_173 = tpu.vector_load %arg9[%get3A_172] {strides = array<i32>} : memref<10000xf32, #tpu.memory_space<vmem>>, vector<16xf32>,
          tpu.vector_store_idx %arg6[%add3A_167], %get3A_173 {add = true} : memref<51200xf32, #tpu.memory_space<vmem>>[vector<16xi32>], vector<16xf32>,
          %gather3A_174 = tpu.vector_load_idx %arg7[%add3A_167] : memref<51200xf32, #tpu.memory_space<vmem>>[vector<16xi32>], vector<16xf32>,
          %gt3A_175 = arith.cmpf ogt, %get3A_173, %gather3A_174 : vector<16xf32>
          tpu.vector_store_idx %arg7[%add3A_167], %get3A_173 masked %gt3A_175 : memref<51200xf32, #tpu.memory_space<vmem>>[vector<16xi32>], vector<16xf32>, vector<16xi1>
          %add3A_176 = arith.constant 30720 : i32
          %add3A_177 = vector.broadcast %add3A_176 : i32 to vector<16xi32>
          %add3A_178 = arith.addi %get3A_123, %add3A_177 : vector<16xi32>
          %mul3A_179 = arith.constant 16 : i32
          %mul3A_180 = arith.muli %scan3A_119, %mul3A_179 : i32
          %add3A_181 = arith.constant 6000 : i32
          %add3A_182 = arith.addi %add3A_181, %mul3A_180 : i32
          %get3A_183 = arith.index_cast %add3A_182 : i32 to index
          %get3A_184 = tpu.vector_load %arg9[%get3A_183] {strides = array<i32>} : memref<10000xf32, #tpu.memory_space<vmem>>, vector<16xf32>,
          tpu.vector_store_idx %arg6[%add3A_178], %get3A_184 {add = true} : memref<51200xf32, #tpu.memory_space<vmem>>[vector<16xi32>], vector<16xf32>,
          %gather3A_185 = tpu.vector_load_idx %arg7[%add3A_178] : memref<51200xf32, #tpu.memory_space<vmem>>[vector<16xi32>], vector<16xf32>,
          %gt3A_186 = arith.cmpf ogt, %get3A_184, %gather3A_185 : vector<16xf32>
          tpu.vector_store_idx %arg7[%add3A_178], %get3A_184 masked %gt3A_186 : memref<51200xf32, #tpu.memory_space<vmem>>[vector<16xi32>], vector<16xf32>, vector<16xi1>
          %add3A_187 = arith.constant 40960 : i32
          %add3A_188 = vector.broadcast %add3A_187 : i32 to vector<16xi32>
          %add3A_189 = arith.addi %get3A_123, %add3A_188 : vector<16xi32>
          %mul3A_190 = arith.constant 16 : i32
          %mul3A_191 = arith.muli %scan3A_119, %mul3A_190 : i32
          %add3A_192 = arith.constant 8000 : i32
          %add3A_193 = arith.addi %add3A_192, %mul3A_191 : i32
          %get3A_194 = arith.index_cast %add3A_193 : i32 to index
          %get3A_195 = tpu.vector_load %arg9[%get3A_194] {strides = array<i32>} : memref<10000xf32, #tpu.memory_space<vmem>>, vector<16xf32>,
          tpu.vector_store_idx %arg6[%add3A_189], %get3A_195 {add = true} : memref<51200xf32, #tpu.memory_space<vmem>>[vector<16xi32>], vector<16xf32>,
          %gather3A_196 = tpu.vector_load_idx %arg7[%add3A_189] : memref<51200xf32, #tpu.memory_space<vmem>>[vector<16xi32>], vector<16xf32>,
          %gt3A_197 = arith.cmpf ogt, %get3A_195, %gather3A_196 : vector<16xf32>
          tpu.vector_store_idx %arg7[%add3A_189], %get3A_195 masked %gt3A_197 : memref<51200xf32, #tpu.memory_space<vmem>>[vector<16xi32>], vector<16xf32>, vector<16xi1>
        } else {
        }
        %not3A = arith.constant true
        %not3A_139 = arith.xori %reduce_and3A_135, %not3A : i1
        %convert_element_type3A_140 = arith.extui %not3A_139 : i1 to i32
        %cond3A_141 = arith.constant 0 : i32
        %cond3A_142 = arith.cmpi ne, %convert_element_type3A_140, %cond3A_141 : i32
        scf.if %cond3A_142 {
          %add3A_144 = arith.constant 0 : i32
          %add3A_145 = vector.broadcast %add3A_144 : i32 to vector<16xi32>
          %add3A_146 = arith.addi %get3A_123, %add3A_145 : vector<16xi32>
          %mul3A_147 = arith.constant 16 : i32
          %mul3A_148 = arith.muli %scan3A_119, %mul3A_147 : i32
          %add3A_149 = arith.constant 0 : i32
          %add3A_150 = arith.addi %add3A_149, %mul3A_148 : i32
          %get3A_151 = arith.index_cast %add3A_150 : i32 to index
          %get3A_152 = tpu.vector_load %arg9[%get3A_151] {strides = array<i32>} : memref<10000xf32, #tpu.memory_space<vmem>>, vector<16xf32>,
          tpu.vector_store_idx %arg6[%add3A_146], %get3A_152 {add = true} : memref<51200xf32, #tpu.memory_space<vmem>>[vector<16xi32>], vector<16xf32>,
          %gather3A_153 = tpu.vector_load_idx %arg7[%add3A_146] : memref<51200xf32, #tpu.memory_space<vmem>>[vector<16xi32>], vector<16xf32>,
          %gt3A = arith.cmpf ogt, %get3A_152, %gather3A_153 : vector<16xf32>
          tpu.vector_store_idx %arg7[%add3A_146], %get3A_152 masked %gt3A : memref<51200xf32, #tpu.memory_space<vmem>>[vector<16xi32>], vector<16xf32>, vector<16xi1>
          %gather3A_154 = tpu.vector_load_idx %arg7[%add3A_146] : memref<51200xf32, #tpu.memory_space<vmem>>[vector<16xi32>], vector<16xf32>,
          %lt3A_155 = arith.cmpf olt, %gather3A_154, %get3A_152 : vector<16xf32>
          tpu.vector_store_idx %arg7[%add3A_146], %get3A_152 masked %lt3A_155 : memref<51200xf32, #tpu.memory_space<vmem>>[vector<16xi32>], vector<16xf32>, vector<16xi1>
          %gather3A_156 = tpu.vector_load_idx %arg7[%add3A_146] : memref<51200xf32, #tpu.memory_space<vmem>>[vector<16xi32>], vector<16xf32>,
          %lt3A_157 = arith.cmpf olt, %gather3A_156, %get3A_152 : vector<16xf32>
          tpu.vector_store_idx %arg7[%add3A_146], %get3A_152 masked %lt3A_157 : memref<51200xf32, #tpu.memory_space<vmem>>[vector<16xi32>], vector<16xf32>, vector<16xi1>
          %gather3A_158 = tpu.vector_load_idx %arg7[%add3A_146] : memref<51200xf32, #tpu.memory_space<vmem>>[vector<16xi32>], vector<16xf32>,
          %lt3A_159 = arith.cmpf olt, %gather3A_158, %get3A_152 : vector<16xf32>
          tpu.vector_store_idx %arg7[%add3A_146], %get3A_152 masked %lt3A_159 : memref<51200xf32, #tpu.memory_space<vmem>>[vector<16xi32>], vector<16xf32>, vector<16xi1>
          %gather3A_160 = tpu.vector_load_idx %arg7[%add3A_146] : memref<51200xf32, #tpu.memory_space<vmem>>[vector<16xi32>], vector<16xf32>,
          %lt3A_161 = arith.cmpf olt, %gather3A_160, %get3A_152 : vector<16xf32>
          %add3A_162 = arith.constant 10240 : i32
          %add3A_163 = vector.broadcast %add3A_162 : i32 to vector<16xi32>
          %add3A_164 = arith.addi %get3A_123, %add3A_163 : vector<16xi32>
          %mul3A_165 = arith.constant 16 : i32
          %mul3A_166 = arith.muli %scan3A_119, %mul3A_165 : i32
          %add3A_167 = arith.constant 2000 : i32
          %add3A_168 = arith.addi %add3A_167, %mul3A_166 : i32
          %get3A_169 = arith.index_cast %add3A_168 : i32 to index
          %get3A_170 = tpu.vector_load %arg9[%get3A_169] {strides = array<i32>} : memref<10000xf32, #tpu.memory_space<vmem>>, vector<16xf32>,
          tpu.vector_store_idx %arg6[%add3A_164], %get3A_170 {add = true} : memref<51200xf32, #tpu.memory_space<vmem>>[vector<16xi32>], vector<16xf32>,
          %gather3A_171 = tpu.vector_load_idx %arg7[%add3A_164] : memref<51200xf32, #tpu.memory_space<vmem>>[vector<16xi32>], vector<16xf32>,
          %gt3A_172 = arith.cmpf ogt, %get3A_170, %gather3A_171 : vector<16xf32>
          tpu.vector_store_idx %arg7[%add3A_164], %get3A_170 masked %gt3A_172 : memref<51200xf32, #tpu.memory_space<vmem>>[vector<16xi32>], vector<16xf32>, vector<16xi1>
          %gather3A_173 = tpu.vector_load_idx %arg7[%add3A_164] : memref<51200xf32, #tpu.memory_space<vmem>>[vector<16xi32>], vector<16xf32>,
          %lt3A_174 = arith.cmpf olt, %gather3A_173, %get3A_170 : vector<16xf32>
          tpu.vector_store_idx %arg7[%add3A_164], %get3A_170 masked %lt3A_174 : memref<51200xf32, #tpu.memory_space<vmem>>[vector<16xi32>], vector<16xf32>, vector<16xi1>
          %gather3A_175 = tpu.vector_load_idx %arg7[%add3A_164] : memref<51200xf32, #tpu.memory_space<vmem>>[vector<16xi32>], vector<16xf32>,
          %lt3A_176 = arith.cmpf olt, %gather3A_175, %get3A_170 : vector<16xf32>
          tpu.vector_store_idx %arg7[%add3A_164], %get3A_170 masked %lt3A_176 : memref<51200xf32, #tpu.memory_space<vmem>>[vector<16xi32>], vector<16xf32>, vector<16xi1>
          %gather3A_177 = tpu.vector_load_idx %arg7[%add3A_164] : memref<51200xf32, #tpu.memory_space<vmem>>[vector<16xi32>], vector<16xf32>,
          %lt3A_178 = arith.cmpf olt, %gather3A_177, %get3A_170 : vector<16xf32>
          tpu.vector_store_idx %arg7[%add3A_164], %get3A_170 masked %lt3A_178 : memref<51200xf32, #tpu.memory_space<vmem>>[vector<16xi32>], vector<16xf32>, vector<16xi1>
          %gather3A_179 = tpu.vector_load_idx %arg7[%add3A_164] : memref<51200xf32, #tpu.memory_space<vmem>>[vector<16xi32>], vector<16xf32>,
          %lt3A_180 = arith.cmpf olt, %gather3A_179, %get3A_170 : vector<16xf32>
          %add3A_181 = arith.constant 20480 : i32
          %add3A_182 = vector.broadcast %add3A_181 : i32 to vector<16xi32>
          %add3A_183 = arith.addi %get3A_123, %add3A_182 : vector<16xi32>
          %mul3A_184 = arith.constant 16 : i32
          %mul3A_185 = arith.muli %scan3A_119, %mul3A_184 : i32
          %add3A_186 = arith.constant 4000 : i32
          %add3A_187 = arith.addi %add3A_186, %mul3A_185 : i32
          %get3A_188 = arith.index_cast %add3A_187 : i32 to index
          %get3A_189 = tpu.vector_load %arg9[%get3A_188] {strides = array<i32>} : memref<10000xf32, #tpu.memory_space<vmem>>, vector<16xf32>,
          tpu.vector_store_idx %arg6[%add3A_183], %get3A_189 {add = true} : memref<51200xf32, #tpu.memory_space<vmem>>[vector<16xi32>], vector<16xf32>,
          %gather3A_190 = tpu.vector_load_idx %arg7[%add3A_183] : memref<51200xf32, #tpu.memory_space<vmem>>[vector<16xi32>], vector<16xf32>,
          %gt3A_191 = arith.cmpf ogt, %get3A_189, %gather3A_190 : vector<16xf32>
          tpu.vector_store_idx %arg7[%add3A_183], %get3A_189 masked %gt3A_191 : memref<51200xf32, #tpu.memory_space<vmem>>[vector<16xi32>], vector<16xf32>, vector<16xi1>
          %gather3A_192 = tpu.vector_load_idx %arg7[%add3A_183] : memref<51200xf32, #tpu.memory_space<vmem>>[vector<16xi32>], vector<16xf32>,
          %lt3A_193 = arith.cmpf olt, %gather3A_192, %get3A_189 : vector<16xf32>
          tpu.vector_store_idx %arg7[%add3A_183], %get3A_189 masked %lt3A_193 : memref<51200xf32, #tpu.memory_space<vmem>>[vector<16xi32>], vector<16xf32>, vector<16xi1>
          %gather3A_194 = tpu.vector_load_idx %arg7[%add3A_183] : memref<51200xf32, #tpu.memory_space<vmem>>[vector<16xi32>], vector<16xf32>,
          %lt3A_195 = arith.cmpf olt, %gather3A_194, %get3A_189 : vector<16xf32>
          tpu.vector_store_idx %arg7[%add3A_183], %get3A_189 masked %lt3A_195 : memref<51200xf32, #tpu.memory_space<vmem>>[vector<16xi32>], vector<16xf32>, vector<16xi1>
          %gather3A_196 = tpu.vector_load_idx %arg7[%add3A_183] : memref<51200xf32, #tpu.memory_space<vmem>>[vector<16xi32>], vector<16xf32>,
          %lt3A_197 = arith.cmpf olt, %gather3A_196, %get3A_189 : vector<16xf32>
          tpu.vector_store_idx %arg7[%add3A_183], %get3A_189 masked %lt3A_197 : memref<51200xf32, #tpu.memory_space<vmem>>[vector<16xi32>], vector<16xf32>, vector<16xi1>
          %gather3A_198 = tpu.vector_load_idx %arg7[%add3A_183] : memref<51200xf32, #tpu.memory_space<vmem>>[vector<16xi32>], vector<16xf32>,
          %lt3A_199 = arith.cmpf olt, %gather3A_198, %get3A_189 : vector<16xf32>
          %add3A_200 = arith.constant 30720 : i32
          %add3A_201 = vector.broadcast %add3A_200 : i32 to vector<16xi32>
          %add3A_202 = arith.addi %get3A_123, %add3A_201 : vector<16xi32>
          %mul3A_203 = arith.constant 16 : i32
          %mul3A_204 = arith.muli %scan3A_119, %mul3A_203 : i32
          %add3A_205 = arith.constant 6000 : i32
          %add3A_206 = arith.addi %add3A_205, %mul3A_204 : i32
          %get3A_207 = arith.index_cast %add3A_206 : i32 to index
          %get3A_208 = tpu.vector_load %arg9[%get3A_207] {strides = array<i32>} : memref<10000xf32, #tpu.memory_space<vmem>>, vector<16xf32>,
          tpu.vector_store_idx %arg6[%add3A_202], %get3A_208 {add = true} : memref<51200xf32, #tpu.memory_space<vmem>>[vector<16xi32>], vector<16xf32>,
          %gather3A_209 = tpu.vector_load_idx %arg7[%add3A_202] : memref<51200xf32, #tpu.memory_space<vmem>>[vector<16xi32>], vector<16xf32>,
          %gt3A_210 = arith.cmpf ogt, %get3A_208, %gather3A_209 : vector<16xf32>
          tpu.vector_store_idx %arg7[%add3A_202], %get3A_208 masked %gt3A_210 : memref<51200xf32, #tpu.memory_space<vmem>>[vector<16xi32>], vector<16xf32>, vector<16xi1>
          %gather3A_211 = tpu.vector_load_idx %arg7[%add3A_202] : memref<51200xf32, #tpu.memory_space<vmem>>[vector<16xi32>], vector<16xf32>,
          %lt3A_212 = arith.cmpf olt, %gather3A_211, %get3A_208 : vector<16xf32>
          tpu.vector_store_idx %arg7[%add3A_202], %get3A_208 masked %lt3A_212 : memref<51200xf32, #tpu.memory_space<vmem>>[vector<16xi32>], vector<16xf32>, vector<16xi1>
          %gather3A_213 = tpu.vector_load_idx %arg7[%add3A_202] : memref<51200xf32, #tpu.memory_space<vmem>>[vector<16xi32>], vector<16xf32>,
          %lt3A_214 = arith.cmpf olt, %gather3A_213, %get3A_208 : vector<16xf32>
          tpu.vector_store_idx %arg7[%add3A_202], %get3A_208 masked %lt3A_214 : memref<51200xf32, #tpu.memory_space<vmem>>[vector<16xi32>], vector<16xf32>, vector<16xi1>
          %gather3A_215 = tpu.vector_load_idx %arg7[%add3A_202] : memref<51200xf32, #tpu.memory_space<vmem>>[vector<16xi32>], vector<16xf32>,
          %lt3A_216 = arith.cmpf olt, %gather3A_215, %get3A_208 : vector<16xf32>
          tpu.vector_store_idx %arg7[%add3A_202], %get3A_208 masked %lt3A_216 : memref<51200xf32, #tpu.memory_space<vmem>>[vector<16xi32>], vector<16xf32>, vector<16xi1>
          %gather3A_217 = tpu.vector_load_idx %arg7[%add3A_202] : memref<51200xf32, #tpu.memory_space<vmem>>[vector<16xi32>], vector<16xf32>,
          %lt3A_218 = arith.cmpf olt, %gather3A_217, %get3A_208 : vector<16xf32>
          %add3A_219 = arith.constant 40960 : i32
          %add3A_220 = vector.broadcast %add3A_219 : i32 to vector<16xi32>
          %add3A_221 = arith.addi %get3A_123, %add3A_220 : vector<16xi32>
          %mul3A_222 = arith.constant 16 : i32
          %mul3A_223 = arith.muli %scan3A_119, %mul3A_222 : i32
          %add3A_224 = arith.constant 8000 : i32
          %add3A_225 = arith.addi %add3A_224, %mul3A_223 : i32
          %get3A_226 = arith.index_cast %add3A_225 : i32 to index
          %get3A_227 = tpu.vector_load %arg9[%get3A_226] {strides = array<i32>} : memref<10000xf32, #tpu.memory_space<vmem>>, vector<16xf32>,
          tpu.vector_store_idx %arg6[%add3A_221], %get3A_227 {add = true} : memref<51200xf32, #tpu.memory_space<vmem>>[vector<16xi32>], vector<16xf32>,
          %gather3A_228 = tpu.vector_load_idx %arg7[%add3A_221] : memref<51200xf32, #tpu.memory_space<vmem>>[vector<16xi32>], vector<16xf32>,
          %gt3A_229 = arith.cmpf ogt, %get3A_227, %gather3A_228 : vector<16xf32>
          tpu.vector_store_idx %arg7[%add3A_221], %get3A_227 masked %gt3A_229 : memref<51200xf32, #tpu.memory_space<vmem>>[vector<16xi32>], vector<16xf32>, vector<16xi1>
          %gather3A_230 = tpu.vector_load_idx %arg7[%add3A_221] : memref<51200xf32, #tpu.memory_space<vmem>>[vector<16xi32>], vector<16xf32>,
          %lt3A_231 = arith.cmpf olt, %gather3A_230, %get3A_227 : vector<16xf32>
          tpu.vector_store_idx %arg7[%add3A_221], %get3A_227 masked %lt3A_231 : memref<51200xf32, #tpu.memory_space<vmem>>[vector<16xi32>], vector<16xf32>, vector<16xi1>
          %gather3A_232 = tpu.vector_load_idx %arg7[%add3A_221] : memref<51200xf32, #tpu.memory_space<vmem>>[vector<16xi32>], vector<16xf32>,
          %lt3A_233 = arith.cmpf olt, %gather3A_232, %get3A_227 : vector<16xf32>
          tpu.vector_store_idx %arg7[%add3A_221], %get3A_227 masked %lt3A_233 : memref<51200xf32, #tpu.memory_space<vmem>>[vector<16xi32>], vector<16xf32>, vector<16xi1>
          %gather3A_234 = tpu.vector_load_idx %arg7[%add3A_221] : memref<51200xf32, #tpu.memory_space<vmem>>[vector<16xi32>], vector<16xf32>,
          %lt3A_235 = arith.cmpf olt, %gather3A_234, %get3A_227 : vector<16xf32>
          tpu.vector_store_idx %arg7[%add3A_221], %get3A_227 masked %lt3A_235 : memref<51200xf32, #tpu.memory_space<vmem>>[vector<16xi32>], vector<16xf32>, vector<16xi1>
          %gather3A_236 = tpu.vector_load_idx %arg7[%add3A_221] : memref<51200xf32, #tpu.memory_space<vmem>>[vector<16xi32>], vector<16xf32>,
          %lt3A_237 = arith.cmpf olt, %gather3A_236, %get3A_227 : vector<16xf32>
        } else {
        }
        %scan3A_143 = arith.constant 0 : i32
        scf.yield %scan3A_143 : i32
      }
      %scan3A_117 = arith.constant 125 : i32
      %scan3A_118 = arith.constant 0 : i32
      scf.yield %scan3A_118 : i32
    }
    %scan3A_27 = arith.constant 80 : i32
    %add3A_28 = arith.constant 0 : i32
    %add3A_29 = arith.addi %mul3A_2, %add3A_28 : i32
    %mul3A_30 = arith.constant 10240 : i32
    %mul3A_31 = arith.muli %add3A_29, %mul3A_30 : i32
    "tpu.region"() ({
      %run_scoped3A = tpu.sem_alloc : memref<!tpu.dma_semaphore, #tpu.memory_space<semaphore_mem>>
      %dma_start3A_68 = arith.constant 0 : i32
      %dma_start3A_69 = tpu.memref_slice %arg6[%dma_start3A_68] : memref<51200xf32, #tpu.memory_space<vmem>> -> memref<10240xf32, #tpu.memory_space<vmem>>
      %dma_start3A_70 = tpu.memref_slice %arg4[%mul3A_31] : memref<1638400xf32, #tpu.memory_space<hbm>> -> memref<10240xf32, #tpu.memory_space<hbm>>
      %dma_start3A_71 = tpu.memref_slice %arg4[%mul3A_31] : memref<1638400xf32, #tpu.memory_space<hbm>> -> memref<10240xf32, #tpu.memory_space<hbm>>
      %dma_start3A_72 = arith.constant 0 : i32
      %dma_start3A_73 = tpu.memref_slice %arg6[%dma_start3A_72] : memref<51200xf32, #tpu.memory_space<vmem>> -> memref<10240xf32, #tpu.memory_space<vmem>>
      tpu.enqueue_dma source(%dma_start3A_73 : memref<10240xf32, #tpu.memory_space<vmem>>) target(%dma_start3A_71 : memref<10240xf32, #tpu.memory_space<hbm>>) target_semaphore(%run_scoped3A : memref<!tpu.dma_semaphore, #tpu.memory_space<semaphore_mem>>)
      %dma_wait3A = arith.constant 0 : i32
      %dma_wait3A_74 = tpu.memref_slice %arg6[%dma_wait3A] : memref<51200xf32, #tpu.memory_space<vmem>> -> memref<10240xf32, #tpu.memory_space<vmem>>
      %dma_wait3A_75 = tpu.memref_slice %arg4[%mul3A_31] : memref<1638400xf32, #tpu.memory_space<hbm>> -> memref<10240xf32, #tpu.memory_space<hbm>>
      %dma_wait3A_76 = tpu.memref_slice %arg4[%mul3A_31] : memref<1638400xf32, #tpu.memory_space<hbm>> -> memref<10240xf32, #tpu.memory_space<hbm>>
      %dma_wait3A_77 = arith.constant 0 : i32
      %dma_wait3A_78 = tpu.memref_slice %arg6[%dma_wait3A_77] : memref<51200xf32, #tpu.memory_space<vmem>> -> memref<10240xf32, #tpu.memory_space<vmem>>
      tpu.wait_dma2 semaphore(%run_scoped3A : memref<!tpu.dma_semaphore, #tpu.memory_space<semaphore_mem>>) src(%dma_wait3A_78 : memref<10240xf32, #tpu.memory_space<vmem>>) dst(%dma_wait3A_76 : memref<10240xf32, #tpu.memory_space<hbm>>)
      tpu.yield
    }) : () -> ()
    %add3A_32 = arith.constant 0 : i32
    %add3A_33 = arith.addi %mul3A_2, %add3A_32 : i32
    %mul3A_34 = arith.constant 10240 : i32
    %mul3A_35 = arith.muli %add3A_33, %mul3A_34 : i32
    "tpu.region"() ({
      %run_scoped3A = tpu.sem_alloc : memref<!tpu.dma_semaphore, #tpu.memory_space<semaphore_mem>>
      %dma_start3A_68 = arith.constant 0 : i32
      %dma_start3A_69 = tpu.memref_slice %arg7[%dma_start3A_68] : memref<51200xf32, #tpu.memory_space<vmem>> -> memref<10240xf32, #tpu.memory_space<vmem>>
      %dma_start3A_70 = tpu.memref_slice %arg5[%mul3A_35] : memref<1638400xf32, #tpu.memory_space<hbm>> -> memref<10240xf32, #tpu.memory_space<hbm>>
      %dma_start3A_71 = tpu.memref_slice %arg5[%mul3A_35] : memref<1638400xf32, #tpu.memory_space<hbm>> -> memref<10240xf32, #tpu.memory_space<hbm>>
      %dma_start3A_72 = arith.constant 0 : i32
      %dma_start3A_73 = tpu.memref_slice %arg7[%dma_start3A_72] : memref<51200xf32, #tpu.memory_space<vmem>> -> memref<10240xf32, #tpu.memory_space<vmem>>
      tpu.enqueue_dma source(%dma_start3A_73 : memref<10240xf32, #tpu.memory_space<vmem>>) target(%dma_start3A_71 : memref<10240xf32, #tpu.memory_space<hbm>>) target_semaphore(%run_scoped3A : memref<!tpu.dma_semaphore, #tpu.memory_space<semaphore_mem>>)
      %dma_wait3A = arith.constant 0 : i32
      %dma_wait3A_74 = tpu.memref_slice %arg7[%dma_wait3A] : memref<51200xf32, #tpu.memory_space<vmem>> -> memref<10240xf32, #tpu.memory_space<vmem>>
      %dma_wait3A_75 = tpu.memref_slice %arg5[%mul3A_35] : memref<1638400xf32, #tpu.memory_space<hbm>> -> memref<10240xf32, #tpu.memory_space<hbm>>
      %dma_wait3A_76 = tpu.memref_slice %arg5[%mul3A_35] : memref<1638400xf32, #tpu.memory_space<hbm>> -> memref<10240xf32, #tpu.memory_space<hbm>>
      %dma_wait3A_77 = arith.constant 0 : i32
      %dma_wait3A_78 = tpu.memref_slice %arg7[%dma_wait3A_77] : memref<51200xf32, #tpu.memory_space<vmem>> -> memref<10240xf32, #tpu.memory_space<vmem>>
      tpu.wait_dma2 semaphore(%run_scoped3A : memref<!tpu.dma_semaphore, #tpu.memory_space<semaphore_mem>>) src(%dma_wait3A_78 : memref<10240xf32, #tpu.memory_space<vmem>>) dst(%dma_wait3A_76 : memref<10240xf32, #tpu.memory_space<hbm>>)
      tpu.yield
    }) : () -> ()
    %add3A_36 = arith.constant 1 : i32
    %add3A_37 = arith.addi %mul3A_2, %add3A_36 : i32
    %mul3A_38 = arith.constant 10240 : i32
    %mul3A_39 = arith.muli %add3A_37, %mul3A_38 : i32
    "tpu.region"() ({
      %run_scoped3A = tpu.sem_alloc : memref<!tpu.dma_semaphore, #tpu.memory_space<semaphore_mem>>
      %dma_start3A_68 = arith.constant 10240 : i32
      %dma_start3A_69 = tpu.memref_slice %arg6[%dma_start3A_68] : memref<51200xf32, #tpu.memory_space<vmem>> -> memref<10240xf32, #tpu.memory_space<vmem>>
      %dma_start3A_70 = tpu.memref_slice %arg4[%mul3A_39] : memref<1638400xf32, #tpu.memory_space<hbm>> -> memref<10240xf32, #tpu.memory_space<hbm>>
      %dma_start3A_71 = tpu.memref_slice %arg4[%mul3A_39] : memref<1638400xf32, #tpu.memory_space<hbm>> -> memref<10240xf32, #tpu.memory_space<hbm>>
      %dma_start3A_72 = arith.constant 10240 : i32
      %dma_start3A_73 = tpu.memref_slice %arg6[%dma_start3A_72] : memref<51200xf32, #tpu.memory_space<vmem>> -> memref<10240xf32, #tpu.memory_space<vmem>>
      tpu.enqueue_dma source(%dma_start3A_73 : memref<10240xf32, #tpu.memory_space<vmem>>) target(%dma_start3A_71 : memref<10240xf32, #tpu.memory_space<hbm>>) target_semaphore(%run_scoped3A : memref<!tpu.dma_semaphore, #tpu.memory_space<semaphore_mem>>)
      %dma_wait3A = arith.constant 10240 : i32
      %dma_wait3A_74 = tpu.memref_slice %arg6[%dma_wait3A] : memref<51200xf32, #tpu.memory_space<vmem>> -> memref<10240xf32, #tpu.memory_space<vmem>>
      %dma_wait3A_75 = tpu.memref_slice %arg4[%mul3A_39] : memref<1638400xf32, #tpu.memory_space<hbm>> -> memref<10240xf32, #tpu.memory_space<hbm>>
      %dma_wait3A_76 = tpu.memref_slice %arg4[%mul3A_39] : memref<1638400xf32, #tpu.memory_space<hbm>> -> memref<10240xf32, #tpu.memory_space<hbm>>
      %dma_wait3A_77 = arith.constant 10240 : i32
      %dma_wait3A_78 = tpu.memref_slice %arg6[%dma_wait3A_77] : memref<51200xf32, #tpu.memory_space<vmem>> -> memref<10240xf32, #tpu.memory_space<vmem>>
      tpu.wait_dma2 semaphore(%run_scoped3A : memref<!tpu.dma_semaphore, #tpu.memory_space<semaphore_mem>>) src(%dma_wait3A_78 : memref<10240xf32, #tpu.memory_space<vmem>>) dst(%dma_wait3A_76 : memref<10240xf32, #tpu.memory_space<hbm>>)
      tpu.yield
    }) : () -> ()
    %add3A_40 = arith.constant 1 : i32
    %add3A_41 = arith.addi %mul3A_2, %add3A_40 : i32
    %mul3A_42 = arith.constant 10240 : i32
    %mul3A_43 = arith.muli %add3A_41, %mul3A_42 : i32
    "tpu.region"() ({
      %run_scoped3A = tpu.sem_alloc : memref<!tpu.dma_semaphore, #tpu.memory_space<semaphore_mem>>
      %dma_start3A_68 = arith.constant 10240 : i32
      %dma_start3A_69 = tpu.memref_slice %arg7[%dma_start3A_68] : memref<51200xf32, #tpu.memory_space<vmem>> -> memref<10240xf32, #tpu.memory_space<vmem>>
      %dma_start3A_70 = tpu.memref_slice %arg5[%mul3A_43] : memref<1638400xf32, #tpu.memory_space<hbm>> -> memref<10240xf32, #tpu.memory_space<hbm>>
      %dma_start3A_71 = tpu.memref_slice %arg5[%mul3A_43] : memref<1638400xf32, #tpu.memory_space<hbm>> -> memref<10240xf32, #tpu.memory_space<hbm>>
      %dma_start3A_72 = arith.constant 10240 : i32
      %dma_start3A_73 = tpu.memref_slice %arg7[%dma_start3A_72] : memref<51200xf32, #tpu.memory_space<vmem>> -> memref<10240xf32, #tpu.memory_space<vmem>>
      tpu.enqueue_dma source(%dma_start3A_73 : memref<10240xf32, #tpu.memory_space<vmem>>) target(%dma_start3A_71 : memref<10240xf32, #tpu.memory_space<hbm>>) target_semaphore(%run_scoped3A : memref<!tpu.dma_semaphore, #tpu.memory_space<semaphore_mem>>)
      %dma_wait3A = arith.constant 10240 : i32
      %dma_wait3A_74 = tpu.memref_slice %arg7[%dma_wait3A] : memref<51200xf32, #tpu.memory_space<vmem>> -> memref<10240xf32, #tpu.memory_space<vmem>>
      %dma_wait3A_75 = tpu.memref_slice %arg5[%mul3A_43] : memref<1638400xf32, #tpu.memory_space<hbm>> -> memref<10240xf32, #tpu.memory_space<hbm>>
      %dma_wait3A_76 = tpu.memref_slice %arg5[%mul3A_43] : memref<1638400xf32, #tpu.memory_space<hbm>> -> memref<10240xf32, #tpu.memory_space<hbm>>
      %dma_wait3A_77 = arith.constant 10240 : i32
      %dma_wait3A_78 = tpu.memref_slice %arg7[%dma_wait3A_77] : memref<51200xf32, #tpu.memory_space<vmem>> -> memref<10240xf32, #tpu.memory_space<vmem>>
      tpu.wait_dma2 semaphore(%run_scoped3A : memref<!tpu.dma_semaphore, #tpu.memory_space<semaphore_mem>>) src(%dma_wait3A_78 : memref<10240xf32, #tpu.memory_space<vmem>>) dst(%dma_wait3A_76 : memref<10240xf32, #tpu.memory_space<hbm>>)
      tpu.yield
    }) : () -> ()
    %add3A_44 = arith.constant 2 : i32
    %add3A_45 = arith.addi %mul3A_2, %add3A_44 : i32
    %mul3A_46 = arith.constant 10240 : i32
    %mul3A_47 = arith.muli %add3A_45, %mul3A_46 : i32
    "tpu.region"() ({
      %run_scoped3A = tpu.sem_alloc : memref<!tpu.dma_semaphore, #tpu.memory_space<semaphore_mem>>
      %dma_start3A_68 = arith.constant 20480 : i32
      %dma_start3A_69 = tpu.memref_slice %arg6[%dma_start3A_68] : memref<51200xf32, #tpu.memory_space<vmem>> -> memref<10240xf32, #tpu.memory_space<vmem>>
      %dma_start3A_70 = tpu.memref_slice %arg4[%mul3A_47] : memref<1638400xf32, #tpu.memory_space<hbm>> -> memref<10240xf32, #tpu.memory_space<hbm>>
      %dma_start3A_71 = tpu.memref_slice %arg4[%mul3A_47] : memref<1638400xf32, #tpu.memory_space<hbm>> -> memref<10240xf32, #tpu.memory_space<hbm>>
      %dma_start3A_72 = arith.constant 20480 : i32
      %dma_start3A_73 = tpu.memref_slice %arg6[%dma_start3A_72] : memref<51200xf32, #tpu.memory_space<vmem>> -> memref<10240xf32, #tpu.memory_space<vmem>>
      tpu.enqueue_dma source(%dma_start3A_73 : memref<10240xf32, #tpu.memory_space<vmem>>) target(%dma_start3A_71 : memref<10240xf32, #tpu.memory_space<hbm>>) target_semaphore(%run_scoped3A : memref<!tpu.dma_semaphore, #tpu.memory_space<semaphore_mem>>)
      %dma_wait3A = arith.constant 20480 : i32
      %dma_wait3A_74 = tpu.memref_slice %arg6[%dma_wait3A] : memref<51200xf32, #tpu.memory_space<vmem>> -> memref<10240xf32, #tpu.memory_space<vmem>>
      %dma_wait3A_75 = tpu.memref_slice %arg4[%mul3A_47] : memref<1638400xf32, #tpu.memory_space<hbm>> -> memref<10240xf32, #tpu.memory_space<hbm>>
      %dma_wait3A_76 = tpu.memref_slice %arg4[%mul3A_47] : memref<1638400xf32, #tpu.memory_space<hbm>> -> memref<10240xf32, #tpu.memory_space<hbm>>
      %dma_wait3A_77 = arith.constant 20480 : i32
      %dma_wait3A_78 = tpu.memref_slice %arg6[%dma_wait3A_77] : memref<51200xf32, #tpu.memory_space<vmem>> -> memref<10240xf32, #tpu.memory_space<vmem>>
      tpu.wait_dma2 semaphore(%run_scoped3A : memref<!tpu.dma_semaphore, #tpu.memory_space<semaphore_mem>>) src(%dma_wait3A_78 : memref<10240xf32, #tpu.memory_space<vmem>>) dst(%dma_wait3A_76 : memref<10240xf32, #tpu.memory_space<hbm>>)
      tpu.yield
    }) : () -> ()
    %add3A_48 = arith.constant 2 : i32
    %add3A_49 = arith.addi %mul3A_2, %add3A_48 : i32
    %mul3A_50 = arith.constant 10240 : i32
    %mul3A_51 = arith.muli %add3A_49, %mul3A_50 : i32
    "tpu.region"() ({
      %run_scoped3A = tpu.sem_alloc : memref<!tpu.dma_semaphore, #tpu.memory_space<semaphore_mem>>
      %dma_start3A_68 = arith.constant 20480 : i32
      %dma_start3A_69 = tpu.memref_slice %arg7[%dma_start3A_68] : memref<51200xf32, #tpu.memory_space<vmem>> -> memref<10240xf32, #tpu.memory_space<vmem>>
      %dma_start3A_70 = tpu.memref_slice %arg5[%mul3A_51] : memref<1638400xf32, #tpu.memory_space<hbm>> -> memref<10240xf32, #tpu.memory_space<hbm>>
      %dma_start3A_71 = tpu.memref_slice %arg5[%mul3A_51] : memref<1638400xf32, #tpu.memory_space<hbm>> -> memref<10240xf32, #tpu.memory_space<hbm>>
      %dma_start3A_72 = arith.constant 20480 : i32
      %dma_start3A_73 = tpu.memref_slice %arg7[%dma_start3A_72] : memref<51200xf32, #tpu.memory_space<vmem>> -> memref<10240xf32, #tpu.memory_space<vmem>>
      tpu.enqueue_dma source(%dma_start3A_73 : memref<10240xf32, #tpu.memory_space<vmem>>) target(%dma_start3A_71 : memref<10240xf32, #tpu.memory_space<hbm>>) target_semaphore(%run_scoped3A : memref<!tpu.dma_semaphore, #tpu.memory_space<semaphore_mem>>)
      %dma_wait3A = arith.constant 20480 : i32
      %dma_wait3A_74 = tpu.memref_slice %arg7[%dma_wait3A] : memref<51200xf32, #tpu.memory_space<vmem>> -> memref<10240xf32, #tpu.memory_space<vmem>>
      %dma_wait3A_75 = tpu.memref_slice %arg5[%mul3A_51] : memref<1638400xf32, #tpu.memory_space<hbm>> -> memref<10240xf32, #tpu.memory_space<hbm>>
      %dma_wait3A_76 = tpu.memref_slice %arg5[%mul3A_51] : memref<1638400xf32, #tpu.memory_space<hbm>> -> memref<10240xf32, #tpu.memory_space<hbm>>
      %dma_wait3A_77 = arith.constant 20480 : i32
      %dma_wait3A_78 = tpu.memref_slice %arg7[%dma_wait3A_77] : memref<51200xf32, #tpu.memory_space<vmem>> -> memref<10240xf32, #tpu.memory_space<vmem>>
      tpu.wait_dma2 semaphore(%run_scoped3A : memref<!tpu.dma_semaphore, #tpu.memory_space<semaphore_mem>>) src(%dma_wait3A_78 : memref<10240xf32, #tpu.memory_space<vmem>>) dst(%dma_wait3A_76 : memref<10240xf32, #tpu.memory_space<hbm>>)
      tpu.yield
    }) : () -> ()
    %add3A_52 = arith.constant 3 : i32
    %add3A_53 = arith.addi %mul3A_2, %add3A_52 : i32
    %mul3A_54 = arith.constant 10240 : i32
    %mul3A_55 = arith.muli %add3A_53, %mul3A_54 : i32
    "tpu.region"() ({
      %run_scoped3A = tpu.sem_alloc : memref<!tpu.dma_semaphore, #tpu.memory_space<semaphore_mem>>
      %dma_start3A_68 = arith.constant 30720 : i32
      %dma_start3A_69 = tpu.memref_slice %arg6[%dma_start3A_68] : memref<51200xf32, #tpu.memory_space<vmem>> -> memref<10240xf32, #tpu.memory_space<vmem>>
      %dma_start3A_70 = tpu.memref_slice %arg4[%mul3A_55] : memref<1638400xf32, #tpu.memory_space<hbm>> -> memref<10240xf32, #tpu.memory_space<hbm>>
      %dma_start3A_71 = tpu.memref_slice %arg4[%mul3A_55] : memref<1638400xf32, #tpu.memory_space<hbm>> -> memref<10240xf32, #tpu.memory_space<hbm>>
      %dma_start3A_72 = arith.constant 30720 : i32
      %dma_start3A_73 = tpu.memref_slice %arg6[%dma_start3A_72] : memref<51200xf32, #tpu.memory_space<vmem>> -> memref<10240xf32, #tpu.memory_space<vmem>>
      tpu.enqueue_dma source(%dma_start3A_73 : memref<10240xf32, #tpu.memory_space<vmem>>) target(%dma_start3A_71 : memref<10240xf32, #tpu.memory_space<hbm>>) target_semaphore(%run_scoped3A : memref<!tpu.dma_semaphore, #tpu.memory_space<semaphore_mem>>)
      %dma_wait3A = arith.constant 30720 : i32
      %dma_wait3A_74 = tpu.memref_slice %arg6[%dma_wait3A] : memref<51200xf32, #tpu.memory_space<vmem>> -> memref<10240xf32, #tpu.memory_space<vmem>>
      %dma_wait3A_75 = tpu.memref_slice %arg4[%mul3A_55] : memref<1638400xf32, #tpu.memory_space<hbm>> -> memref<10240xf32, #tpu.memory_space<hbm>>
      %dma_wait3A_76 = tpu.memref_slice %arg4[%mul3A_55] : memref<1638400xf32, #tpu.memory_space<hbm>> -> memref<10240xf32, #tpu.memory_space<hbm>>
      %dma_wait3A_77 = arith.constant 30720 : i32
      %dma_wait3A_78 = tpu.memref_slice %arg6[%dma_wait3A_77] : memref<51200xf32, #tpu.memory_space<vmem>> -> memref<10240xf32, #tpu.memory_space<vmem>>
      tpu.wait_dma2 semaphore(%run_scoped3A : memref<!tpu.dma_semaphore, #tpu.memory_space<semaphore_mem>>) src(%dma_wait3A_78 : memref<10240xf32, #tpu.memory_space<vmem>>) dst(%dma_wait3A_76 : memref<10240xf32, #tpu.memory_space<hbm>>)
      tpu.yield
    }) : () -> ()
    %add3A_56 = arith.constant 3 : i32
    %add3A_57 = arith.addi %mul3A_2, %add3A_56 : i32
    %mul3A_58 = arith.constant 10240 : i32
    %mul3A_59 = arith.muli %add3A_57, %mul3A_58 : i32
    "tpu.region"() ({
      %run_scoped3A = tpu.sem_alloc : memref<!tpu.dma_semaphore, #tpu.memory_space<semaphore_mem>>
      %dma_start3A_68 = arith.constant 30720 : i32
      %dma_start3A_69 = tpu.memref_slice %arg7[%dma_start3A_68] : memref<51200xf32, #tpu.memory_space<vmem>> -> memref<10240xf32, #tpu.memory_space<vmem>>
      %dma_start3A_70 = tpu.memref_slice %arg5[%mul3A_59] : memref<1638400xf32, #tpu.memory_space<hbm>> -> memref<10240xf32, #tpu.memory_space<hbm>>
      %dma_start3A_71 = tpu.memref_slice %arg5[%mul3A_59] : memref<1638400xf32, #tpu.memory_space<hbm>> -> memref<10240xf32, #tpu.memory_space<hbm>>
      %dma_start3A_72 = arith.constant 30720 : i32
      %dma_start3A_73 = tpu.memref_slice %arg7[%dma_start3A_72] : memref<51200xf32, #tpu.memory_space<vmem>> -> memref<10240xf32, #tpu.memory_space<vmem>>
      tpu.enqueue_dma source(%dma_start3A_73 : memref<10240xf32, #tpu.memory_space<vmem>>) target(%dma_start3A_71 : memref<10240xf32, #tpu.memory_space<hbm>>) target_semaphore(%run_scoped3A : memref<!tpu.dma_semaphore, #tpu.memory_space<semaphore_mem>>)
      %dma_wait3A = arith.constant 30720 : i32
      %dma_wait3A_74 = tpu.memref_slice %arg7[%dma_wait3A] : memref<51200xf32, #tpu.memory_space<vmem>> -> memref<10240xf32, #tpu.memory_space<vmem>>
      %dma_wait3A_75 = tpu.memref_slice %arg5[%mul3A_59] : memref<1638400xf32, #tpu.memory_space<hbm>> -> memref<10240xf32, #tpu.memory_space<hbm>>
      %dma_wait3A_76 = tpu.memref_slice %arg5[%mul3A_59] : memref<1638400xf32, #tpu.memory_space<hbm>> -> memref<10240xf32, #tpu.memory_space<hbm>>
      %dma_wait3A_77 = arith.constant 30720 : i32
      %dma_wait3A_78 = tpu.memref_slice %arg7[%dma_wait3A_77] : memref<51200xf32, #tpu.memory_space<vmem>> -> memref<10240xf32, #tpu.memory_space<vmem>>
      tpu.wait_dma2 semaphore(%run_scoped3A : memref<!tpu.dma_semaphore, #tpu.memory_space<semaphore_mem>>) src(%dma_wait3A_78 : memref<10240xf32, #tpu.memory_space<vmem>>) dst(%dma_wait3A_76 : memref<10240xf32, #tpu.memory_space<hbm>>)
      tpu.yield
    }) : () -> ()
    %add3A_60 = arith.constant 4 : i32
    %add3A_61 = arith.addi %mul3A_2, %add3A_60 : i32
    %mul3A_62 = arith.constant 10240 : i32
    %mul3A_63 = arith.muli %add3A_61, %mul3A_62 : i32
    "tpu.region"() ({
      %run_scoped3A = tpu.sem_alloc : memref<!tpu.dma_semaphore, #tpu.memory_space<semaphore_mem>>
      %dma_start3A_68 = arith.constant 40960 : i32
      %dma_start3A_69 = tpu.memref_slice %arg6[%dma_start3A_68] : memref<51200xf32, #tpu.memory_space<vmem>> -> memref<10240xf32, #tpu.memory_space<vmem>>
      %dma_start3A_70 = tpu.memref_slice %arg4[%mul3A_63] : memref<1638400xf32, #tpu.memory_space<hbm>> -> memref<10240xf32, #tpu.memory_space<hbm>>
      %dma_start3A_71 = tpu.memref_slice %arg4[%mul3A_63] : memref<1638400xf32, #tpu.memory_space<hbm>> -> memref<10240xf32, #tpu.memory_space<hbm>>
      %dma_start3A_72 = arith.constant 40960 : i32
      %dma_start3A_73 = tpu.memref_slice %arg6[%dma_start3A_72] : memref<51200xf32, #tpu.memory_space<vmem>> -> memref<10240xf32, #tpu.memory_space<vmem>>
      tpu.enqueue_dma source(%dma_start3A_73 : memref<10240xf32, #tpu.memory_space<vmem>>) target(%dma_start3A_71 : memref<10240xf32, #tpu.memory_space<hbm>>) target_semaphore(%run_scoped3A : memref<!tpu.dma_semaphore, #tpu.memory_space<semaphore_mem>>)
      %dma_wait3A = arith.constant 40960 : i32
      %dma_wait3A_74 = tpu.memref_slice %arg6[%dma_wait3A] : memref<51200xf32, #tpu.memory_space<vmem>> -> memref<10240xf32, #tpu.memory_space<vmem>>
      %dma_wait3A_75 = tpu.memref_slice %arg4[%mul3A_63] : memref<1638400xf32, #tpu.memory_space<hbm>> -> memref<10240xf32, #tpu.memory_space<hbm>>
      %dma_wait3A_76 = tpu.memref_slice %arg4[%mul3A_63] : memref<1638400xf32, #tpu.memory_space<hbm>> -> memref<10240xf32, #tpu.memory_space<hbm>>
      %dma_wait3A_77 = arith.constant 40960 : i32
      %dma_wait3A_78 = tpu.memref_slice %arg6[%dma_wait3A_77] : memref<51200xf32, #tpu.memory_space<vmem>> -> memref<10240xf32, #tpu.memory_space<vmem>>
      tpu.wait_dma2 semaphore(%run_scoped3A : memref<!tpu.dma_semaphore, #tpu.memory_space<semaphore_mem>>) src(%dma_wait3A_78 : memref<10240xf32, #tpu.memory_space<vmem>>) dst(%dma_wait3A_76 : memref<10240xf32, #tpu.memory_space<hbm>>)
      tpu.yield
    }) : () -> ()
    %add3A_64 = arith.constant 4 : i32
    %add3A_65 = arith.addi %mul3A_2, %add3A_64 : i32
    %mul3A_66 = arith.constant 10240 : i32
    %mul3A_67 = arith.muli %add3A_65, %mul3A_66 : i32
    "tpu.region"() ({
      %run_scoped3A = tpu.sem_alloc : memref<!tpu.dma_semaphore, #tpu.memory_space<semaphore_mem>>
      %dma_start3A_68 = arith.constant 40960 : i32
      %dma_start3A_69 = tpu.memref_slice %arg7[%dma_start3A_68] : memref<51200xf32, #tpu.memory_space<vmem>> -> memref<10240xf32, #tpu.memory_space<vmem>>
      %dma_start3A_70 = tpu.memref_slice %arg5[%mul3A_67] : memref<1638400xf32, #tpu.memory_space<hbm>> -> memref<10240xf32, #tpu.memory_space<hbm>>
      %dma_start3A_71 = tpu.memref_slice %arg5[%mul3A_67] : memref<1638400xf32, #tpu.memory_space<hbm>> -> memref<10240xf32, #tpu.memory_space<hbm>>
      %dma_start3A_72 = arith.constant 40960 : i32
      %dma_start3A_73 = tpu.memref_slice %arg7[%dma_start3A_72] : memref<51200xf32, #tpu.memory_space<vmem>> -> memref<10240xf32, #tpu.memory_space<vmem>>
      tpu.enqueue_dma source(%dma_start3A_73 : memref<10240xf32, #tpu.memory_space<vmem>>) target(%dma_start3A_71 : memref<10240xf32, #tpu.memory_space<hbm>>) target_semaphore(%run_scoped3A : memref<!tpu.dma_semaphore, #tpu.memory_space<semaphore_mem>>)
      %dma_wait3A = arith.constant 40960 : i32
      %dma_wait3A_74 = tpu.memref_slice %arg7[%dma_wait3A] : memref<51200xf32, #tpu.memory_space<vmem>> -> memref<10240xf32, #tpu.memory_space<vmem>>
      %dma_wait3A_75 = tpu.memref_slice %arg5[%mul3A_67] : memref<1638400xf32, #tpu.memory_space<hbm>> -> memref<10240xf32, #tpu.memory_space<hbm>>
      %dma_wait3A_76 = tpu.memref_slice %arg5[%mul3A_67] : memref<1638400xf32, #tpu.memory_space<hbm>> -> memref<10240xf32, #tpu.memory_space<hbm>>
      %dma_wait3A_77 = arith.constant 40960 : i32
      %dma_wait3A_78 = tpu.memref_slice %arg7[%dma_wait3A_77] : memref<51200xf32, #tpu.memory_space<vmem>> -> memref<10240xf32, #tpu.memory_space<vmem>>
      tpu.wait_dma2 semaphore(%run_scoped3A : memref<!tpu.dma_semaphore, #tpu.memory_space<semaphore_mem>>) src(%dma_wait3A_78 : memref<10240xf32, #tpu.memory_space<vmem>>) dst(%dma_wait3A_76 : memref<10240xf32, #tpu.memory_space<hbm>>)
      tpu.yield
    }) : () -> ()
    return
  }
}

module attributes {stable_mosaic.version = 14 : i64} {
  func.func @body(%arg0: i32, %arg1: memref<2000x128xf32, #tpu.memory_space<vmem>>, %arg2: memref<2000x128xf32, #tpu.memory_space<vmem>>, %arg3: memref<2000x16xf32, #tpu.memory_space<vmem>>, %arg4: memref<128x272xf32, #tpu.memory_space<vmem>>, %arg5: memref<128x272xf32, #tpu.memory_space<vmem>>, %arg6: memref<16x272xf32, #tpu.memory_space<vmem>>, %arg7: memref<1x272xf32, #tpu.memory_space<vmem>>, %arg8: memref<1x272xf32, #tpu.memory_space<vmem>>, %arg9: memref<1x272xf32, #tpu.memory_space<vmem>>, %arg10: memref<272x272xf32, #tpu.memory_space<vmem>>, %arg11: memref<1x272xf32, #tpu.memory_space<vmem>>, %arg12: memref<272x48xf32, #tpu.memory_space<vmem>>, %arg13: memref<16x48xf32, #tpu.memory_space<vmem>>, %arg14: memref<1x48xf32, #tpu.memory_space<vmem>>, %arg15: memref<1x48xf32, #tpu.memory_space<vmem>>, %arg16: memref<16x16xf32, #tpu.memory_space<vmem>>, %arg17: memref<1x16xf32, #tpu.memory_space<vmem>>, %arg18: memref<2000x16xf32, #tpu.memory_space<vmem>>, %arg19: memref<1x160x2000xf32, #tpu.memory_space<vmem>>) attributes {dimension_semantics = [#tpu.dimension_semantics<arbitrary>], iteration_bounds = array<i64: 160>, scalar_prefetch = 0 : i64, scratch_operands = 0 : i64, tpu.core_type = #tpu.core_type<tc>, window_params = [{transform_indices = @transform_0, window_bounds = array<i64: 2000, 128>}, {transform_indices = @transform_1, window_bounds = array<i64: 2000, 128>}, {transform_indices = @transform_2, window_bounds = array<i64: 2000, 16>}, {pipeline_mode = #tpu.pipeline_mode<synchronous>, transform_indices = @transform_3, window_bounds = array<i64: 128, 272>}, {pipeline_mode = #tpu.pipeline_mode<synchronous>, transform_indices = @transform_4, window_bounds = array<i64: 128, 272>}, {pipeline_mode = #tpu.pipeline_mode<synchronous>, transform_indices = @transform_5, window_bounds = array<i64: 16, 272>}, {pipeline_mode = #tpu.pipeline_mode<synchronous>, transform_indices = @transform_6, window_bounds = array<i64: 1, 272>}, {pipeline_mode = #tpu.pipeline_mode<synchronous>, transform_indices = @transform_7, window_bounds = array<i64: 1, 272>}, {pipeline_mode = #tpu.pipeline_mode<synchronous>, transform_indices = @transform_8, window_bounds = array<i64: 1, 272>}, {pipeline_mode = #tpu.pipeline_mode<synchronous>, transform_indices = @transform_9, window_bounds = array<i64: 272, 272>}, {pipeline_mode = #tpu.pipeline_mode<synchronous>, transform_indices = @transform_10, window_bounds = array<i64: 1, 272>}, {pipeline_mode = #tpu.pipeline_mode<synchronous>, transform_indices = @transform_11, window_bounds = array<i64: 272, 48>}, {pipeline_mode = #tpu.pipeline_mode<synchronous>, transform_indices = @transform_12, window_bounds = array<i64: 16, 48>}, {pipeline_mode = #tpu.pipeline_mode<synchronous>, transform_indices = @transform_13, window_bounds = array<i64: 1, 48>}, {pipeline_mode = #tpu.pipeline_mode<synchronous>, transform_indices = @transform_14, window_bounds = array<i64: 1, 48>}, {pipeline_mode = #tpu.pipeline_mode<synchronous>, transform_indices = @transform_15, window_bounds = array<i64: 16, 16>}, {pipeline_mode = #tpu.pipeline_mode<synchronous>, transform_indices = @transform_16, window_bounds = array<i64: 1, 16>}, {transform_indices = @transform_17, window_bounds = array<i64: 2000, 16>}, {transform_indices = @transform_18, window_bounds = array<i64: 1, 160, 2000>}]} {
    %get3A = arith.constant 0 : index
    %get3A_0 = arith.constant 0 : index
    %get3A_1 = vector.load %arg1[%get3A, %get3A_0] : memref<2000x128xf32, #tpu.memory_space<vmem>>, vector<2000x128xf32>
    %get3A_2 = arith.constant 0 : index
    %get3A_3 = arith.constant 0 : index
    %get3A_4 = vector.load %arg2[%get3A_2, %get3A_3] : memref<2000x128xf32, #tpu.memory_space<vmem>>, vector<2000x128xf32>
    %get3A_5 = arith.constant 0 : index
    %get3A_6 = arith.constant 0 : index
    %get3A_7 = vector.load %arg3[%get3A_5, %get3A_6] : memref<2000x16xf32, #tpu.memory_space<vmem>>, vector<2000x16xf32>
    %get3A_8 = arith.constant 0 : index
    %get3A_9 = arith.constant 0 : index
    %get3A_10 = vector.load %arg4[%get3A_8, %get3A_9] : memref<128x272xf32, #tpu.memory_space<vmem>>, vector<128x272xf32>
    %dot_general3A = arith.constant dense<0.000000e+00> : vector<2000x272xf32>
    %dot_general3A_11 = tpu.matmul %get3A_1, %get3A_10, %dot_general3A {dimension_numbers = #tpu.dot_dimension_numbers<[1], [0], [0], [1], [0, 0, 1, 1], [], []>, transpose_lhs_hint = false} : vector<2000x128xf32>, vector<128x272xf32>, vector<2000x272xf32> -> vector<2000x272xf32>
    %get3A_12 = arith.constant 0 : index
    %get3A_13 = arith.constant 0 : index
    %get3A_14 = vector.load %arg5[%get3A_12, %get3A_13] : memref<128x272xf32, #tpu.memory_space<vmem>>, vector<128x272xf32>
    %dot_general3A_15 = arith.constant dense<0.000000e+00> : vector<2000x272xf32>
    %dot_general3A_16 = tpu.matmul %get3A_4, %get3A_14, %dot_general3A_15 {dimension_numbers = #tpu.dot_dimension_numbers<[1], [0], [0], [1], [0, 0, 1, 1], [], []>, transpose_lhs_hint = false} : vector<2000x128xf32>, vector<128x272xf32>, vector<2000x272xf32> -> vector<2000x272xf32>
    %add3A = arith.addf %dot_general3A_11, %dot_general3A_16 : vector<2000x272xf32>
    %get3A_17 = arith.constant 0 : index
    %get3A_18 = arith.constant 0 : index
    %get3A_19 = vector.load %arg6[%get3A_17, %get3A_18] : memref<16x272xf32, #tpu.memory_space<vmem>>, vector<16x272xf32>
    %dot_general3A_20 = arith.constant dense<0.000000e+00> : vector<2000x272xf32>
    %dot_general3A_21 = tpu.matmul %get3A_7, %get3A_19, %dot_general3A_20 {dimension_numbers = #tpu.dot_dimension_numbers<[1], [0], [0], [1], [0, 0, 1, 1], [], []>, transpose_lhs_hint = false} : vector<2000x16xf32>, vector<16x272xf32>, vector<2000x272xf32> -> vector<2000x272xf32>
    %add3A_22 = arith.addf %add3A, %dot_general3A_21 : vector<2000x272xf32>
    %get3A_23 = arith.constant 0 : index
    %get3A_24 = arith.constant 0 : index
    %get3A_25 = vector.load %arg7[%get3A_23, %get3A_24] : memref<1x272xf32, #tpu.memory_space<vmem>>, vector<1x272xf32>
    %add3A_26 = vector.broadcast %get3A_25 : vector<1x272xf32> to vector<2000x272xf32>
    %add3A_27 = arith.addf %add3A_22, %add3A_26 : vector<2000x272xf32>
    %reduce_sum3A = arith.constant dense<0.000000e+00> : vector<2000xf32>
    %reduce_sum3A_28 = vector.multi_reduction <add>, %add3A_27, %reduce_sum3A [1] : vector<2000x272xf32> to vector<2000xf32>
    %broadcast_in_dim3A = vector.shape_cast %reduce_sum3A_28 : vector<2000xf32> to vector<2000x1xf32>
    %div3A = arith.constant 2.720000e+02 : f32
    %div3A_29 = vector.broadcast %div3A : f32 to vector<2000x1xf32>
    %div3A_30 = arith.divf %broadcast_in_dim3A, %div3A_29 : vector<2000x1xf32>
    %sub3A = vector.broadcast %div3A_30 : vector<2000x1xf32> to vector<2000x272xf32>
    %sub3A_31 = arith.subf %add3A_27, %sub3A : vector<2000x272xf32>
    %integer_pow3A = arith.mulf %sub3A_31, %sub3A_31 : vector<2000x272xf32>
    %reduce_sum3A_32 = arith.constant dense<0.000000e+00> : vector<2000xf32>
    %reduce_sum3A_33 = vector.multi_reduction <add>, %integer_pow3A, %reduce_sum3A_32 [1] : vector<2000x272xf32> to vector<2000xf32>
    %broadcast_in_dim3A_34 = vector.shape_cast %reduce_sum3A_33 : vector<2000xf32> to vector<2000x1xf32>
    %div3A_35 = arith.constant 2.720000e+02 : f32
    %div3A_36 = vector.broadcast %div3A_35 : f32 to vector<2000x1xf32>
    %div3A_37 = arith.divf %broadcast_in_dim3A_34, %div3A_36 : vector<2000x1xf32>
    %sub3A_38 = vector.broadcast %div3A_30 : vector<2000x1xf32> to vector<2000x272xf32>
    %sub3A_39 = arith.subf %add3A_27, %sub3A_38 : vector<2000x272xf32>
    %add3A_40 = arith.constant 9.99999974E-6 : f32
    %add3A_41 = vector.broadcast %add3A_40 : f32 to vector<2000x1xf32>
    %add3A_42 = arith.addf %div3A_37, %add3A_41 : vector<2000x1xf32>
    %rsqrt3A = math.rsqrt %add3A_42 : vector<2000x1xf32>
    %mul3A = vector.broadcast %rsqrt3A : vector<2000x1xf32> to vector<2000x272xf32>
    %mul3A_43 = arith.mulf %sub3A_39, %mul3A : vector<2000x272xf32>
    %get3A_44 = arith.constant 0 : index
    %get3A_45 = arith.constant 0 : index
    %get3A_46 = vector.load %arg8[%get3A_44, %get3A_45] : memref<1x272xf32, #tpu.memory_space<vmem>>, vector<1x272xf32>
    %mul3A_47 = vector.broadcast %get3A_46 : vector<1x272xf32> to vector<2000x272xf32>
    %mul3A_48 = arith.mulf %mul3A_43, %mul3A_47 : vector<2000x272xf32>
    %get3A_49 = arith.constant 0 : index
    %get3A_50 = arith.constant 0 : index
    %get3A_51 = vector.load %arg9[%get3A_49, %get3A_50] : memref<1x272xf32, #tpu.memory_space<vmem>>, vector<1x272xf32>
    %add3A_52 = vector.broadcast %get3A_51 : vector<1x272xf32> to vector<2000x272xf32>
    %add3A_53 = arith.addf %mul3A_48, %add3A_52 : vector<2000x272xf32>
    %gt3A = arith.constant 0.000000e+00 : f32
    %gt3A_54 = vector.broadcast %gt3A : f32 to vector<2000x272xf32>
    %gt3A_55 = arith.cmpf ogt, %add3A_53, %gt3A_54 : vector<2000x272xf32>
    %mul3A_56 = arith.constant 2.000000e-01 : f32
    %mul3A_57 = vector.broadcast %mul3A_56 : f32 to vector<2000x272xf32>
    %mul3A_58 = arith.mulf %mul3A_57, %add3A_53 : vector<2000x272xf32>
    %select_n3A = arith.select %gt3A_55, %add3A_53, %mul3A_58 : vector<2000x272xi1>, vector<2000x272xf32>
    %get3A_59 = arith.constant 0 : index
    %get3A_60 = arith.constant 0 : index
    %get3A_61 = vector.load %arg10[%get3A_59, %get3A_60] : memref<272x272xf32, #tpu.memory_space<vmem>>, vector<272x272xf32>
    %dot_general3A_62 = arith.constant dense<0.000000e+00> : vector<2000x272xf32>
    %dot_general3A_63 = tpu.matmul %select_n3A, %get3A_61, %dot_general3A_62 {dimension_numbers = #tpu.dot_dimension_numbers<[1], [0], [0], [1], [0, 0, 1, 1], [], []>, transpose_lhs_hint = false} : vector<2000x272xf32>, vector<272x272xf32>, vector<2000x272xf32> -> vector<2000x272xf32>
    %get3A_64 = arith.constant 0 : index
    %get3A_65 = arith.constant 0 : index
    %get3A_66 = vector.load %arg11[%get3A_64, %get3A_65] : memref<1x272xf32, #tpu.memory_space<vmem>>, vector<1x272xf32>
    %add3A_67 = vector.broadcast %get3A_66 : vector<1x272xf32> to vector<2000x272xf32>
    %add3A_68 = arith.addf %dot_general3A_63, %add3A_67 : vector<2000x272xf32>
    %get3A_69 = arith.constant 0 : index
    %get3A_70 = arith.constant 0 : index
    %get3A_71 = vector.load %arg12[%get3A_69, %get3A_70] : memref<272x48xf32, #tpu.memory_space<vmem>>, vector<272x48xf32>
    %dot_general3A_72 = arith.constant dense<0.000000e+00> : vector<2000x48xf32>
    %dot_general3A_73 = tpu.matmul %add3A_68, %get3A_71, %dot_general3A_72 {dimension_numbers = #tpu.dot_dimension_numbers<[1], [0], [0], [1], [0, 0, 1, 1], [], []>, transpose_lhs_hint = false} : vector<2000x272xf32>, vector<272x48xf32>, vector<2000x48xf32> -> vector<2000x48xf32>
    %get3A_74 = arith.constant 0 : index
    %get3A_75 = arith.constant 0 : index
    %get3A_76 = vector.load %arg14[%get3A_74, %get3A_75] : memref<1x48xf32, #tpu.memory_space<vmem>>, vector<1x48xf32>
    %add3A_77 = vector.broadcast %get3A_76 : vector<1x48xf32> to vector<2000x48xf32>
    %add3A_78 = arith.addf %dot_general3A_73, %add3A_77 : vector<2000x48xf32>
    %get3A_79 = arith.constant 0 : index
    %get3A_80 = arith.constant 0 : index
    %get3A_81 = vector.load %arg13[%get3A_79, %get3A_80] : memref<16x48xf32, #tpu.memory_space<vmem>>, vector<16x48xf32>
    %dot_general3A_82 = arith.constant dense<0.000000e+00> : vector<2000x48xf32>
    %dot_general3A_83 = tpu.matmul %get3A_7, %get3A_81, %dot_general3A_82 {dimension_numbers = #tpu.dot_dimension_numbers<[1], [0], [0], [1], [0, 0, 1, 1], [], []>, transpose_lhs_hint = false} : vector<2000x16xf32>, vector<16x48xf32>, vector<2000x48xf32> -> vector<2000x48xf32>
    %get3A_84 = arith.constant 0 : index
    %get3A_85 = arith.constant 0 : index
    %get3A_86 = vector.load %arg15[%get3A_84, %get3A_85] : memref<1x48xf32, #tpu.memory_space<vmem>>, vector<1x48xf32>
    %add3A_87 = vector.broadcast %get3A_86 : vector<1x48xf32> to vector<2000x48xf32>
    %add3A_88 = arith.addf %dot_general3A_83, %add3A_87 : vector<2000x48xf32>
    %slice3A = vector.extract_strided_slice %add3A_78 {offsets = [0, 0], sizes = [2000, 16], strides = [1, 1]} : vector<2000x48xf32> to vector<2000x16xf32>
    %slice3A_89 = vector.extract_strided_slice %add3A_78 {offsets = [0, 16], sizes = [2000, 16], strides = [1, 1]} : vector<2000x48xf32> to vector<2000x16xf32>
    %slice3A_90 = vector.extract_strided_slice %add3A_78 {offsets = [0, 32], sizes = [2000, 16], strides = [1, 1]} : vector<2000x48xf32> to vector<2000x16xf32>
    %slice3A_91 = vector.extract_strided_slice %add3A_88 {offsets = [0, 0], sizes = [2000, 16], strides = [1, 1]} : vector<2000x48xf32> to vector<2000x16xf32>
    %slice3A_92 = vector.extract_strided_slice %add3A_88 {offsets = [0, 16], sizes = [2000, 16], strides = [1, 1]} : vector<2000x48xf32> to vector<2000x16xf32>
    %slice3A_93 = vector.extract_strided_slice %add3A_88 {offsets = [0, 32], sizes = [2000, 16], strides = [1, 1]} : vector<2000x48xf32> to vector<2000x16xf32>
    %add3A_94 = arith.addf %slice3A, %slice3A_91 : vector<2000x16xf32>
    %logistic3A = arith.negf %add3A_94 : vector<2000x16xf32>
    %logistic3A_95 = math.exp %logistic3A : vector<2000x16xf32>
    %logistic3A_96 = arith.constant 1.000000e+00 : f32
    %logistic3A_97 = vector.broadcast %logistic3A_96 : f32 to vector<2000x16xf32>
    %logistic3A_98 = arith.addf %logistic3A_97, %logistic3A_95 : vector<2000x16xf32>
    %logistic3A_99 = arith.divf %logistic3A_97, %logistic3A_98 : vector<2000x16xf32>
    %add3A_100 = arith.addf %slice3A_89, %slice3A_92 : vector<2000x16xf32>
    %logistic3A_101 = arith.negf %add3A_100 : vector<2000x16xf32>
    %logistic3A_102 = math.exp %logistic3A_101 : vector<2000x16xf32>
    %logistic3A_103 = arith.constant 1.000000e+00 : f32
    %logistic3A_104 = vector.broadcast %logistic3A_103 : f32 to vector<2000x16xf32>
    %logistic3A_105 = arith.addf %logistic3A_104, %logistic3A_102 : vector<2000x16xf32>
    %logistic3A_106 = arith.divf %logistic3A_104, %logistic3A_105 : vector<2000x16xf32>
    %mul3A_107 = arith.mulf %logistic3A_99, %slice3A_93 : vector<2000x16xf32>
    %add3A_108 = arith.addf %slice3A_90, %mul3A_107 : vector<2000x16xf32>
    %tanh3A = math.tanh %add3A_108 : vector<2000x16xf32>
    %sub3A_109 = arith.constant 1.000000e+00 : f32
    %sub3A_110 = vector.broadcast %sub3A_109 : f32 to vector<2000x16xf32>
    %sub3A_111 = arith.subf %sub3A_110, %logistic3A_106 : vector<2000x16xf32>
    %mul3A_112 = arith.mulf %sub3A_111, %tanh3A : vector<2000x16xf32>
    %mul3A_113 = arith.mulf %logistic3A_106, %get3A_7 : vector<2000x16xf32>
    %add3A_114 = arith.addf %mul3A_112, %mul3A_113 : vector<2000x16xf32>
    %get3A_115 = arith.constant 0 : index
    %get3A_116 = arith.constant 0 : index
    %get3A_117 = vector.load %arg16[%get3A_115, %get3A_116] : memref<16x16xf32, #tpu.memory_space<vmem>>, vector<16x16xf32>
    %dot_general3A_118 = arith.constant dense<0.000000e+00> : vector<2000x16xf32>
    %dot_general3A_119 = tpu.matmul %get3A_7, %get3A_117, %dot_general3A_118 {dimension_numbers = #tpu.dot_dimension_numbers<[1], [0], [0], [1], [0, 0, 1, 1], [], []>, transpose_lhs_hint = false} : vector<2000x16xf32>, vector<16x16xf32>, vector<2000x16xf32> -> vector<2000x16xf32>
    %add3A_120 = arith.addf %add3A_114, %dot_general3A_119 : vector<2000x16xf32>
    %get3A_121 = arith.constant 0 : index
    %get3A_122 = arith.constant 0 : index
    %get3A_123 = vector.load %arg17[%get3A_121, %get3A_122] : memref<1x16xf32, #tpu.memory_space<vmem>>, vector<1x16xf32>
    %add3A_124 = vector.broadcast %get3A_123 : vector<1x16xf32> to vector<2000x16xf32>
    %add3A_125 = arith.addf %add3A_120, %add3A_124 : vector<2000x16xf32>
    %gt3A_126 = arith.constant 0.000000e+00 : f32
    %gt3A_127 = vector.broadcast %gt3A_126 : f32 to vector<2000x16xf32>
    %gt3A_128 = arith.cmpf ogt, %add3A_125, %gt3A_127 : vector<2000x16xf32>
    %mul3A_129 = arith.constant 0.00999999977 : f32
    %mul3A_130 = vector.broadcast %mul3A_129 : f32 to vector<2000x16xf32>
    %mul3A_131 = arith.mulf %mul3A_130, %add3A_125 : vector<2000x16xf32>
    %select_n3A_132 = arith.select %gt3A_128, %add3A_125, %mul3A_131 : vector<2000x16xi1>, vector<2000x16xf32>
    %swap3A = arith.constant 0 : index
    %swap3A_133 = arith.constant 0 : index
    %swap3A_134 = vector.load %arg18[%swap3A, %swap3A_133] : memref<2000x16xf32, #tpu.memory_space<vmem>>, vector<2000x16xf32>
    tpu.vector_store %arg18[%swap3A, %swap3A_133], %select_n3A_132 {strides = array<i32>} : memref<2000x16xf32, #tpu.memory_space<vmem>>, vector<2000x16xf32>,
    %transpose3A = tpu.transpose %get3A_1, [1, 0] : vector<2000x128xf32> -> vector<128x2000xf32>
    %swap3A_135 = arith.constant 0 : index
    %swap3A_136 = arith.constant 0 : index
    %swap3A_137 = arith.constant 0 : index
    %swap3A_138 = vector.load %arg19[%swap3A_135, %swap3A_136, %swap3A_137] : memref<1x160x2000xf32, #tpu.memory_space<vmem>>, vector<1x128x2000xf32>
    %swap3A_139 = vector.shape_cast %swap3A_138 : vector<1x128x2000xf32> to vector<128x2000xf32>
    %swap3A_140 = vector.shape_cast %transpose3A : vector<128x2000xf32> to vector<1x128x2000xf32>
    tpu.vector_store %arg19[%swap3A_135, %swap3A_136, %swap3A_137], %swap3A_140 {strides = array<i32>} : memref<1x160x2000xf32, #tpu.memory_space<vmem>>, vector<1x128x2000xf32>,
    %transpose3A_141 = tpu.transpose %select_n3A_132, [1, 0] : vector<2000x16xf32> -> vector<16x2000xf32>
    %swap3A_142 = arith.constant 0 : index
    %swap3A_143 = arith.constant 128 : index
    %swap3A_144 = arith.constant 0 : index
    %swap3A_145 = vector.load %arg19[%swap3A_142, %swap3A_143, %swap3A_144] : memref<1x160x2000xf32, #tpu.memory_space<vmem>>, vector<1x16x2000xf32>
    %swap3A_146 = vector.shape_cast %swap3A_145 : vector<1x16x2000xf32> to vector<16x2000xf32>
    %swap3A_147 = vector.shape_cast %transpose3A_141 : vector<16x2000xf32> to vector<1x16x2000xf32>
    tpu.vector_store %arg19[%swap3A_142, %swap3A_143, %swap3A_144], %swap3A_147 {strides = array<i32>} : memref<1x160x2000xf32, #tpu.memory_space<vmem>>, vector<1x16x2000xf32>,
    %broadcast_in_dim3A_148 = arith.constant 0.000000e+00 : f32
    %broadcast_in_dim3A_149 = vector.broadcast %broadcast_in_dim3A_148 : f32 to vector<16x2000xf32>
    %swap3A_150 = arith.constant 0 : index
    %swap3A_151 = arith.constant 144 : index
    %swap3A_152 = arith.constant 0 : index
    %swap3A_153 = vector.load %arg19[%swap3A_150, %swap3A_151, %swap3A_152] : memref<1x160x2000xf32, #tpu.memory_space<vmem>>, vector<1x16x2000xf32>
    %swap3A_154 = vector.shape_cast %swap3A_153 : vector<1x16x2000xf32> to vector<16x2000xf32>
    %swap3A_155 = vector.shape_cast %broadcast_in_dim3A_149 : vector<16x2000xf32> to vector<1x16x2000xf32>
    tpu.vector_store %arg19[%swap3A_150, %swap3A_151, %swap3A_152], %swap3A_155 {strides = array<i32>} : memref<1x160x2000xf32, #tpu.memory_space<vmem>>, vector<1x16x2000xf32>,
    return
  }
  func.func @transform_0(%arg0: i32) -> (i32, i32) {
    %c0_i32 = arith.constant 0 : i32
    %c0_i32_0 = arith.constant 0 : i32
    return %arg0, %c0_i32 : i32, i32
  }
  func.func @transform_1(%arg0: i32) -> (i32, i32) {
    %c0_i32 = arith.constant 0 : i32
    %c0_i32_0 = arith.constant 0 : i32
    return %arg0, %c0_i32 : i32, i32
  }
  func.func @transform_2(%arg0: i32) -> (i32, i32) {
    %c0_i32 = arith.constant 0 : i32
    %c0_i32_0 = arith.constant 0 : i32
    return %arg0, %c0_i32 : i32, i32
  }
  func.func @transform_3(%arg0: i32) -> (i32, i32) {
    %c0_i32 = arith.constant 0 : i32
    %c0_i32_0 = arith.constant 0 : i32
    %c0_i32_1 = arith.constant 0 : i32
    return %c0_i32, %c0_i32_0 : i32, i32
  }
  func.func @transform_4(%arg0: i32) -> (i32, i32) {
    %c0_i32 = arith.constant 0 : i32
    %c0_i32_0 = arith.constant 0 : i32
    %c0_i32_1 = arith.constant 0 : i32
    return %c0_i32, %c0_i32_0 : i32, i32
  }
  func.func @transform_5(%arg0: i32) -> (i32, i32) {
    %c0_i32 = arith.constant 0 : i32
    %c0_i32_0 = arith.constant 0 : i32
    %c0_i32_1 = arith.constant 0 : i32
    return %c0_i32, %c0_i32_0 : i32, i32
  }
  func.func @transform_6(%arg0: i32) -> (i32, i32) {
    %c0_i32 = arith.constant 0 : i32
    %c0_i32_0 = arith.constant 0 : i32
    %c0_i32_1 = arith.constant 0 : i32
    return %c0_i32, %c0_i32_0 : i32, i32
  }
  func.func @transform_7(%arg0: i32) -> (i32, i32) {
    %c0_i32 = arith.constant 0 : i32
    %c0_i32_0 = arith.constant 0 : i32
    %c0_i32_1 = arith.constant 0 : i32
    return %c0_i32, %c0_i32_0 : i32, i32
  }
  func.func @transform_8(%arg0: i32) -> (i32, i32) {
    %c0_i32 = arith.constant 0 : i32
    %c0_i32_0 = arith.constant 0 : i32
    %c0_i32_1 = arith.constant 0 : i32
    return %c0_i32, %c0_i32_0 : i32, i32
  }
  func.func @transform_9(%arg0: i32) -> (i32, i32) {
    %c0_i32 = arith.constant 0 : i32
    %c0_i32_0 = arith.constant 0 : i32
    %c0_i32_1 = arith.constant 0 : i32
    return %c0_i32, %c0_i32_0 : i32, i32
  }
  func.func @transform_10(%arg0: i32) -> (i32, i32) {
    %c0_i32 = arith.constant 0 : i32
    %c0_i32_0 = arith.constant 0 : i32
    %c0_i32_1 = arith.constant 0 : i32
    return %c0_i32, %c0_i32_0 : i32, i32
  }
  func.func @transform_11(%arg0: i32) -> (i32, i32) {
    %c0_i32 = arith.constant 0 : i32
    %c0_i32_0 = arith.constant 0 : i32
    %c0_i32_1 = arith.constant 0 : i32
    return %c0_i32, %c0_i32_0 : i32, i32
  }
  func.func @transform_12(%arg0: i32) -> (i32, i32) {
    %c0_i32 = arith.constant 0 : i32
    %c0_i32_0 = arith.constant 0 : i32
    %c0_i32_1 = arith.constant 0 : i32
    return %c0_i32, %c0_i32_0 : i32, i32
  }
  func.func @transform_13(%arg0: i32) -> (i32, i32) {
    %c0_i32 = arith.constant 0 : i32
    %c0_i32_0 = arith.constant 0 : i32
    %c0_i32_1 = arith.constant 0 : i32
    return %c0_i32, %c0_i32_0 : i32, i32
  }
  func.func @transform_14(%arg0: i32) -> (i32, i32) {
    %c0_i32 = arith.constant 0 : i32
    %c0_i32_0 = arith.constant 0 : i32
    %c0_i32_1 = arith.constant 0 : i32
    return %c0_i32, %c0_i32_0 : i32, i32
  }
  func.func @transform_15(%arg0: i32) -> (i32, i32) {
    %c0_i32 = arith.constant 0 : i32
    %c0_i32_0 = arith.constant 0 : i32
    %c0_i32_1 = arith.constant 0 : i32
    return %c0_i32, %c0_i32_0 : i32, i32
  }
  func.func @transform_16(%arg0: i32) -> (i32, i32) {
    %c0_i32 = arith.constant 0 : i32
    %c0_i32_0 = arith.constant 0 : i32
    %c0_i32_1 = arith.constant 0 : i32
    return %c0_i32, %c0_i32_0 : i32, i32
  }
  func.func @transform_17(%arg0: i32) -> (i32, i32) {
    %c0_i32 = arith.constant 0 : i32
    %c0_i32_0 = arith.constant 0 : i32
    return %arg0, %c0_i32 : i32, i32
  }
  func.func @transform_18(%arg0: i32) -> (i32, i32, i32) {
    %c0_i32 = arith.constant 0 : i32
    %c0_i32_0 = arith.constant 0 : i32
    %c0_i32_1 = arith.constant 0 : i32
    return %arg0, %c0_i32, %c0_i32_0 : i32, i32, i32
  }
}

module attributes {stable_mosaic.version = 14 : i64} {
  func.func @body(%arg0: i32, %arg1: memref<160x2048xf32, #tpu.memory_space<vmem>>, %arg2: memref<160x2048xf32, #tpu.memory_space<vmem>>, %arg3: memref<2048x128xf32, #tpu.memory_space<vmem>>, %arg4: memref<160x272xf32, #tpu.memory_space<vmem>>, %arg5: memref<160x272xf32, #tpu.memory_space<vmem>>, %arg6: memref<1x272xf32, #tpu.memory_space<vmem>>, %arg7: memref<1x272xf32, #tpu.memory_space<vmem>>, %arg8: memref<1x272xf32, #tpu.memory_space<vmem>>, %arg9: memref<272x272xf32, #tpu.memory_space<vmem>>, %arg10: memref<1x272xf32, #tpu.memory_space<vmem>>, %arg11: memref<272x384xf32, #tpu.memory_space<vmem>>, %arg12: memref<128x384xf32, #tpu.memory_space<vmem>>, %arg13: memref<1x384xf32, #tpu.memory_space<vmem>>, %arg14: memref<1x384xf32, #tpu.memory_space<vmem>>, %arg15: memref<128x128xf32, #tpu.memory_space<vmem>>, %arg16: memref<1x128xf32, #tpu.memory_space<vmem>>, %arg17: memref<2048x128xf32, #tpu.memory_space<vmem>>) attributes {dimension_semantics = [#tpu.dimension_semantics<arbitrary>], iteration_bounds = array<i64: 5>, scalar_prefetch = 0 : i64, scratch_operands = 0 : i64, tpu.core_type = #tpu.core_type<tc>, window_params = [{transform_indices = @transform_0, window_bounds = array<i64: 160, 2048>}, {transform_indices = @transform_1, window_bounds = array<i64: 160, 2048>}, {transform_indices = @transform_2, window_bounds = array<i64: 2048, 128>}, {pipeline_mode = #tpu.pipeline_mode<synchronous>, transform_indices = @transform_3, window_bounds = array<i64: 160, 272>}, {pipeline_mode = #tpu.pipeline_mode<synchronous>, transform_indices = @transform_4, window_bounds = array<i64: 160, 272>}, {pipeline_mode = #tpu.pipeline_mode<synchronous>, transform_indices = @transform_5, window_bounds = array<i64: 1, 272>}, {pipeline_mode = #tpu.pipeline_mode<synchronous>, transform_indices = @transform_6, window_bounds = array<i64: 1, 272>}, {pipeline_mode = #tpu.pipeline_mode<synchronous>, transform_indices = @transform_7, window_bounds = array<i64: 1, 272>}, {pipeline_mode = #tpu.pipeline_mode<synchronous>, transform_indices = @transform_8, window_bounds = array<i64: 272, 272>}, {pipeline_mode = #tpu.pipeline_mode<synchronous>, transform_indices = @transform_9, window_bounds = array<i64: 1, 272>}, {pipeline_mode = #tpu.pipeline_mode<synchronous>, transform_indices = @transform_10, window_bounds = array<i64: 272, 384>}, {pipeline_mode = #tpu.pipeline_mode<synchronous>, transform_indices = @transform_11, window_bounds = array<i64: 128, 384>}, {pipeline_mode = #tpu.pipeline_mode<synchronous>, transform_indices = @transform_12, window_bounds = array<i64: 1, 384>}, {pipeline_mode = #tpu.pipeline_mode<synchronous>, transform_indices = @transform_13, window_bounds = array<i64: 1, 384>}, {pipeline_mode = #tpu.pipeline_mode<synchronous>, transform_indices = @transform_14, window_bounds = array<i64: 128, 128>}, {pipeline_mode = #tpu.pipeline_mode<synchronous>, transform_indices = @transform_15, window_bounds = array<i64: 1, 128>}, {transform_indices = @transform_16, window_bounds = array<i64: 2048, 128>}]} {
    %get3A = arith.constant 0 : index
    %get3A_0 = arith.constant 0 : index
    %get3A_1 = vector.load %arg1[%get3A, %get3A_0] : memref<160x2048xf32, #tpu.memory_space<vmem>>, vector<160x2048xf32>
    %get3A_2 = arith.constant 0 : index
    %get3A_3 = arith.constant 0 : index
    %get3A_4 = vector.load %arg2[%get3A_2, %get3A_3] : memref<160x2048xf32, #tpu.memory_space<vmem>>, vector<160x2048xf32>
    %is_finite3A = tpu.weird %get3A_4 : vector<160x2048xf32> -> vector<160x2048xi1>
    %is_finite3A_5 = arith.constant dense<true> : vector<160x2048xi1>
    %is_finite3A_6 = arith.xori %is_finite3A, %is_finite3A_5 : vector<160x2048xi1>
    %jit3A = arith.constant 0.000000e+00 : f32
    %broadcast_in_dim3A = vector.broadcast %jit3A : f32 to vector<160x2048xf32>
    %select_n3A = arith.select %is_finite3A_6, %get3A_4, %broadcast_in_dim3A : vector<160x2048xi1>, vector<160x2048xf32>
    %get3A_7 = arith.constant 0 : index
    %get3A_8 = arith.constant 0 : index
    %get3A_9 = vector.load %arg3[%get3A_7, %get3A_8] : memref<2048x128xf32, #tpu.memory_space<vmem>>, vector<2048x128xf32>
    %get3A_10 = arith.constant 0 : index
    %get3A_11 = arith.constant 0 : index
    %get3A_12 = vector.load %arg4[%get3A_10, %get3A_11] : memref<160x272xf32, #tpu.memory_space<vmem>>, vector<160x272xf32>
    %dot_general3A = arith.constant dense<0.000000e+00> : vector<2048x272xf32>
    %dot_general3A_13 = tpu.matmul %get3A_1, %get3A_12, %dot_general3A {dimension_numbers = #tpu.dot_dimension_numbers<[0], [0], [1], [1], [0, 1, 1, 1], [], []>, transpose_lhs_hint = false} : vector<160x2048xf32>, vector<160x272xf32>, vector<2048x272xf32> -> vector<2048x272xf32>
    %get3A_14 = arith.constant 0 : index
    %get3A_15 = arith.constant 0 : index
    %get3A_16 = vector.load %arg5[%get3A_14, %get3A_15] : memref<160x272xf32, #tpu.memory_space<vmem>>, vector<160x272xf32>
    %dot_general3A_17 = arith.constant dense<0.000000e+00> : vector<2048x272xf32>
    %dot_general3A_18 = tpu.matmul %select_n3A, %get3A_16, %dot_general3A_17 {dimension_numbers = #tpu.dot_dimension_numbers<[0], [0], [1], [1], [0, 1, 1, 1], [], []>, transpose_lhs_hint = false} : vector<160x2048xf32>, vector<160x272xf32>, vector<2048x272xf32> -> vector<2048x272xf32>
    %add3A = arith.addf %dot_general3A_13, %dot_general3A_18 : vector<2048x272xf32>
    %get3A_19 = arith.constant 0 : index
    %get3A_20 = arith.constant 0 : index
    %get3A_21 = vector.load %arg6[%get3A_19, %get3A_20] : memref<1x272xf32, #tpu.memory_space<vmem>>, vector<1x272xf32>
    %add3A_22 = vector.broadcast %get3A_21 : vector<1x272xf32> to vector<2048x272xf32>
    %add3A_23 = arith.addf %add3A, %add3A_22 : vector<2048x272xf32>
    %reduce_sum3A = arith.constant dense<0.000000e+00> : vector<2048xf32>
    %reduce_sum3A_24 = vector.multi_reduction <add>, %add3A_23, %reduce_sum3A [1] : vector<2048x272xf32> to vector<2048xf32>
    %broadcast_in_dim3A_25 = vector.shape_cast %reduce_sum3A_24 : vector<2048xf32> to vector<2048x1xf32>
    %div3A = arith.constant 2.720000e+02 : f32
    %div3A_26 = vector.broadcast %div3A : f32 to vector<2048x1xf32>
    %div3A_27 = arith.divf %broadcast_in_dim3A_25, %div3A_26 : vector<2048x1xf32>
    %sub3A = vector.broadcast %div3A_27 : vector<2048x1xf32> to vector<2048x272xf32>
    %sub3A_28 = arith.subf %add3A_23, %sub3A : vector<2048x272xf32>
    %integer_pow3A = arith.mulf %sub3A_28, %sub3A_28 : vector<2048x272xf32>
    %reduce_sum3A_29 = arith.constant dense<0.000000e+00> : vector<2048xf32>
    %reduce_sum3A_30 = vector.multi_reduction <add>, %integer_pow3A, %reduce_sum3A_29 [1] : vector<2048x272xf32> to vector<2048xf32>
    %broadcast_in_dim3A_31 = vector.shape_cast %reduce_sum3A_30 : vector<2048xf32> to vector<2048x1xf32>
    %div3A_32 = arith.constant 2.720000e+02 : f32
    %div3A_33 = vector.broadcast %div3A_32 : f32 to vector<2048x1xf32>
    %div3A_34 = arith.divf %broadcast_in_dim3A_31, %div3A_33 : vector<2048x1xf32>
    %sub3A_35 = vector.broadcast %div3A_27 : vector<2048x1xf32> to vector<2048x272xf32>
    %sub3A_36 = arith.subf %add3A_23, %sub3A_35 : vector<2048x272xf32>
    %add3A_37 = arith.constant 9.99999974E-6 : f32
    %add3A_38 = vector.broadcast %add3A_37 : f32 to vector<2048x1xf32>
    %add3A_39 = arith.addf %div3A_34, %add3A_38 : vector<2048x1xf32>
    %rsqrt3A = math.rsqrt %add3A_39 : vector<2048x1xf32>
    %mul3A = vector.broadcast %rsqrt3A : vector<2048x1xf32> to vector<2048x272xf32>
    %mul3A_40 = arith.mulf %sub3A_36, %mul3A : vector<2048x272xf32>
    %get3A_41 = arith.constant 0 : index
    %get3A_42 = arith.constant 0 : index
    %get3A_43 = vector.load %arg7[%get3A_41, %get3A_42] : memref<1x272xf32, #tpu.memory_space<vmem>>, vector<1x272xf32>
    %mul3A_44 = vector.broadcast %get3A_43 : vector<1x272xf32> to vector<2048x272xf32>
    %mul3A_45 = arith.mulf %mul3A_40, %mul3A_44 : vector<2048x272xf32>
    %get3A_46 = arith.constant 0 : index
    %get3A_47 = arith.constant 0 : index
    %get3A_48 = vector.load %arg8[%get3A_46, %get3A_47] : memref<1x272xf32, #tpu.memory_space<vmem>>, vector<1x272xf32>
    %add3A_49 = vector.broadcast %get3A_48 : vector<1x272xf32> to vector<2048x272xf32>
    %add3A_50 = arith.addf %mul3A_45, %add3A_49 : vector<2048x272xf32>
    %gt3A = arith.constant 0.000000e+00 : f32
    %gt3A_51 = vector.broadcast %gt3A : f32 to vector<2048x272xf32>
    %gt3A_52 = arith.cmpf ogt, %add3A_50, %gt3A_51 : vector<2048x272xf32>
    %mul3A_53 = arith.constant 2.000000e-01 : f32
    %mul3A_54 = vector.broadcast %mul3A_53 : f32 to vector<2048x272xf32>
    %mul3A_55 = arith.mulf %mul3A_54, %add3A_50 : vector<2048x272xf32>
    %select_n3A_56 = arith.select %gt3A_52, %add3A_50, %mul3A_55 : vector<2048x272xi1>, vector<2048x272xf32>
    %get3A_57 = arith.constant 0 : index
    %get3A_58 = arith.constant 0 : index
    %get3A_59 = vector.load %arg9[%get3A_57, %get3A_58] : memref<272x272xf32, #tpu.memory_space<vmem>>, vector<272x272xf32>
    %dot_general3A_60 = arith.constant dense<0.000000e+00> : vector<2048x272xf32>
    %dot_general3A_61 = tpu.matmul %select_n3A_56, %get3A_59, %dot_general3A_60 {dimension_numbers = #tpu.dot_dimension_numbers<[1], [0], [0], [1], [0, 0, 1, 1], [], []>, transpose_lhs_hint = false} : vector<2048x272xf32>, vector<272x272xf32>, vector<2048x272xf32> -> vector<2048x272xf32>
    %get3A_62 = arith.constant 0 : index
    %get3A_63 = arith.constant 0 : index
    %get3A_64 = vector.load %arg10[%get3A_62, %get3A_63] : memref<1x272xf32, #tpu.memory_space<vmem>>, vector<1x272xf32>
    %add3A_65 = vector.broadcast %get3A_64 : vector<1x272xf32> to vector<2048x272xf32>
    %add3A_66 = arith.addf %dot_general3A_61, %add3A_65 : vector<2048x272xf32>
    %get3A_67 = arith.constant 0 : index
    %get3A_68 = arith.constant 0 : index
    %get3A_69 = vector.load %arg11[%get3A_67, %get3A_68] : memref<272x384xf32, #tpu.memory_space<vmem>>, vector<272x384xf32>
    %dot_general3A_70 = arith.constant dense<0.000000e+00> : vector<2048x384xf32>
    %dot_general3A_71 = tpu.matmul %add3A_66, %get3A_69, %dot_general3A_70 {dimension_numbers = #tpu.dot_dimension_numbers<[1], [0], [0], [1], [0, 0, 1, 1], [], []>, transpose_lhs_hint = false} : vector<2048x272xf32>, vector<272x384xf32>, vector<2048x384xf32> -> vector<2048x384xf32>
    %get3A_72 = arith.constant 0 : index
    %get3A_73 = arith.constant 0 : index
    %get3A_74 = vector.load %arg13[%get3A_72, %get3A_73] : memref<1x384xf32, #tpu.memory_space<vmem>>, vector<1x384xf32>
    %add3A_75 = vector.broadcast %get3A_74 : vector<1x384xf32> to vector<2048x384xf32>
    %add3A_76 = arith.addf %dot_general3A_71, %add3A_75 : vector<2048x384xf32>
    %get3A_77 = arith.constant 0 : index
    %get3A_78 = arith.constant 0 : index
    %get3A_79 = vector.load %arg12[%get3A_77, %get3A_78] : memref<128x384xf32, #tpu.memory_space<vmem>>, vector<128x384xf32>
    %dot_general3A_80 = arith.constant dense<0.000000e+00> : vector<2048x384xf32>
    %dot_general3A_81 = tpu.matmul %get3A_9, %get3A_79, %dot_general3A_80 {dimension_numbers = #tpu.dot_dimension_numbers<[1], [0], [0], [1], [0, 0, 1, 1], [], []>, transpose_lhs_hint = false} : vector<2048x128xf32>, vector<128x384xf32>, vector<2048x384xf32> -> vector<2048x384xf32>
    %get3A_82 = arith.constant 0 : index
    %get3A_83 = arith.constant 0 : index
    %get3A_84 = vector.load %arg14[%get3A_82, %get3A_83] : memref<1x384xf32, #tpu.memory_space<vmem>>, vector<1x384xf32>
    %add3A_85 = vector.broadcast %get3A_84 : vector<1x384xf32> to vector<2048x384xf32>
    %add3A_86 = arith.addf %dot_general3A_81, %add3A_85 : vector<2048x384xf32>
    %slice3A = vector.extract_strided_slice %add3A_76 {offsets = [0, 0], sizes = [2048, 128], strides = [1, 1]} : vector<2048x384xf32> to vector<2048x128xf32>
    %slice3A_87 = vector.extract_strided_slice %add3A_76 {offsets = [0, 128], sizes = [2048, 128], strides = [1, 1]} : vector<2048x384xf32> to vector<2048x128xf32>
    %slice3A_88 = vector.extract_strided_slice %add3A_76 {offsets = [0, 256], sizes = [2048, 128], strides = [1, 1]} : vector<2048x384xf32> to vector<2048x128xf32>
    %slice3A_89 = vector.extract_strided_slice %add3A_86 {offsets = [0, 0], sizes = [2048, 128], strides = [1, 1]} : vector<2048x384xf32> to vector<2048x128xf32>
    %slice3A_90 = vector.extract_strided_slice %add3A_86 {offsets = [0, 128], sizes = [2048, 128], strides = [1, 1]} : vector<2048x384xf32> to vector<2048x128xf32>
    %slice3A_91 = vector.extract_strided_slice %add3A_86 {offsets = [0, 256], sizes = [2048, 128], strides = [1, 1]} : vector<2048x384xf32> to vector<2048x128xf32>
    %add3A_92 = arith.addf %slice3A, %slice3A_89 : vector<2048x128xf32>
    %logistic3A = arith.negf %add3A_92 : vector<2048x128xf32>
    %logistic3A_93 = math.exp %logistic3A : vector<2048x128xf32>
    %logistic3A_94 = arith.constant 1.000000e+00 : f32
    %logistic3A_95 = vector.broadcast %logistic3A_94 : f32 to vector<2048x128xf32>
    %logistic3A_96 = arith.addf %logistic3A_95, %logistic3A_93 : vector<2048x128xf32>
    %logistic3A_97 = arith.divf %logistic3A_95, %logistic3A_96 : vector<2048x128xf32>
    %add3A_98 = arith.addf %slice3A_87, %slice3A_90 : vector<2048x128xf32>
    %logistic3A_99 = arith.negf %add3A_98 : vector<2048x128xf32>
    %logistic3A_100 = math.exp %logistic3A_99 : vector<2048x128xf32>
    %logistic3A_101 = arith.constant 1.000000e+00 : f32
    %logistic3A_102 = vector.broadcast %logistic3A_101 : f32 to vector<2048x128xf32>
    %logistic3A_103 = arith.addf %logistic3A_102, %logistic3A_100 : vector<2048x128xf32>
    %logistic3A_104 = arith.divf %logistic3A_102, %logistic3A_103 : vector<2048x128xf32>
    %mul3A_105 = arith.mulf %logistic3A_97, %slice3A_91 : vector<2048x128xf32>
    %add3A_106 = arith.addf %slice3A_88, %mul3A_105 : vector<2048x128xf32>
    %tanh3A = math.tanh %add3A_106 : vector<2048x128xf32>
    %sub3A_107 = arith.constant 1.000000e+00 : f32
    %sub3A_108 = vector.broadcast %sub3A_107 : f32 to vector<2048x128xf32>
    %sub3A_109 = arith.subf %sub3A_108, %logistic3A_104 : vector<2048x128xf32>
    %mul3A_110 = arith.mulf %sub3A_109, %tanh3A : vector<2048x128xf32>
    %mul3A_111 = arith.mulf %logistic3A_104, %get3A_9 : vector<2048x128xf32>
    %add3A_112 = arith.addf %mul3A_110, %mul3A_111 : vector<2048x128xf32>
    %get3A_113 = arith.constant 0 : index
    %get3A_114 = arith.constant 0 : index
    %get3A_115 = vector.load %arg15[%get3A_113, %get3A_114] : memref<128x128xf32, #tpu.memory_space<vmem>>, vector<128x128xf32>
    %dot_general3A_116 = arith.constant dense<0.000000e+00> : vector<2048x128xf32>
    %dot_general3A_117 = tpu.matmul %get3A_9, %get3A_115, %dot_general3A_116 {dimension_numbers = #tpu.dot_dimension_numbers<[1], [0], [0], [1], [0, 0, 1, 1], [], []>, transpose_lhs_hint = false} : vector<2048x128xf32>, vector<128x128xf32>, vector<2048x128xf32> -> vector<2048x128xf32>
    %add3A_118 = arith.addf %add3A_112, %dot_general3A_117 : vector<2048x128xf32>
    %get3A_119 = arith.constant 0 : index
    %get3A_120 = arith.constant 0 : index
    %get3A_121 = vector.load %arg16[%get3A_119, %get3A_120] : memref<1x128xf32, #tpu.memory_space<vmem>>, vector<1x128xf32>
    %add3A_122 = vector.broadcast %get3A_121 : vector<1x128xf32> to vector<2048x128xf32>
    %add3A_123 = arith.addf %add3A_118, %add3A_122 : vector<2048x128xf32>
    %gt3A_124 = arith.constant 0.000000e+00 : f32
    %gt3A_125 = vector.broadcast %gt3A_124 : f32 to vector<2048x128xf32>
    %gt3A_126 = arith.cmpf ogt, %add3A_123, %gt3A_125 : vector<2048x128xf32>
    %mul3A_127 = arith.constant 0.00999999977 : f32
    %mul3A_128 = vector.broadcast %mul3A_127 : f32 to vector<2048x128xf32>
    %mul3A_129 = arith.mulf %mul3A_128, %add3A_123 : vector<2048x128xf32>
    %select_n3A_130 = arith.select %gt3A_126, %add3A_123, %mul3A_129 : vector<2048x128xi1>, vector<2048x128xf32>
    %swap3A = arith.constant 0 : index
    %swap3A_131 = arith.constant 0 : index
    %swap3A_132 = vector.load %arg17[%swap3A, %swap3A_131] : memref<2048x128xf32, #tpu.memory_space<vmem>>, vector<2048x128xf32>
    tpu.vector_store %arg17[%swap3A, %swap3A_131], %select_n3A_130 {strides = array<i32>} : memref<2048x128xf32, #tpu.memory_space<vmem>>, vector<2048x128xf32>,
    return
  }
  func.func @transform_0(%arg0: i32) -> (i32, i32) {
    %c0_i32 = arith.constant 0 : i32
    %c0_i32_0 = arith.constant 0 : i32
    return %c0_i32, %arg0 : i32, i32
  }
  func.func @transform_1(%arg0: i32) -> (i32, i32) {
    %c0_i32 = arith.constant 0 : i32
    %c0_i32_0 = arith.constant 0 : i32
    return %c0_i32, %arg0 : i32, i32
  }
  func.func @transform_2(%arg0: i32) -> (i32, i32) {
    %c0_i32 = arith.constant 0 : i32
    %c0_i32_0 = arith.constant 0 : i32
    return %arg0, %c0_i32 : i32, i32
  }
  func.func @transform_3(%arg0: i32) -> (i32, i32) {
    %c0_i32 = arith.constant 0 : i32
    %c0_i32_0 = arith.constant 0 : i32
    %c0_i32_1 = arith.constant 0 : i32
    return %c0_i32, %c0_i32_0 : i32, i32
  }
  func.func @transform_4(%arg0: i32) -> (i32, i32) {
    %c0_i32 = arith.constant 0 : i32
    %c0_i32_0 = arith.constant 0 : i32
    %c0_i32_1 = arith.constant 0 : i32
    return %c0_i32, %c0_i32_0 : i32, i32
  }
  func.func @transform_5(%arg0: i32) -> (i32, i32) {
    %c0_i32 = arith.constant 0 : i32
    %c0_i32_0 = arith.constant 0 : i32
    %c0_i32_1 = arith.constant 0 : i32
    return %c0_i32, %c0_i32_0 : i32, i32
  }
  func.func @transform_6(%arg0: i32) -> (i32, i32) {
    %c0_i32 = arith.constant 0 : i32
    %c0_i32_0 = arith.constant 0 : i32
    %c0_i32_1 = arith.constant 0 : i32
    return %c0_i32, %c0_i32_0 : i32, i32
  }
  func.func @transform_7(%arg0: i32) -> (i32, i32) {
    %c0_i32 = arith.constant 0 : i32
    %c0_i32_0 = arith.constant 0 : i32
    %c0_i32_1 = arith.constant 0 : i32
    return %c0_i32, %c0_i32_0 : i32, i32
  }
  func.func @transform_8(%arg0: i32) -> (i32, i32) {
    %c0_i32 = arith.constant 0 : i32
    %c0_i32_0 = arith.constant 0 : i32
    %c0_i32_1 = arith.constant 0 : i32
    return %c0_i32, %c0_i32_0 : i32, i32
  }
  func.func @transform_9(%arg0: i32) -> (i32, i32) {
    %c0_i32 = arith.constant 0 : i32
    %c0_i32_0 = arith.constant 0 : i32
    %c0_i32_1 = arith.constant 0 : i32
    return %c0_i32, %c0_i32_0 : i32, i32
  }
  func.func @transform_10(%arg0: i32) -> (i32, i32) {
    %c0_i32 = arith.constant 0 : i32
    %c0_i32_0 = arith.constant 0 : i32
    %c0_i32_1 = arith.constant 0 : i32
    return %c0_i32, %c0_i32_0 : i32, i32
  }
  func.func @transform_11(%arg0: i32) -> (i32, i32) {
    %c0_i32 = arith.constant 0 : i32
    %c0_i32_0 = arith.constant 0 : i32
    %c0_i32_1 = arith.constant 0 : i32
    return %c0_i32, %c0_i32_0 : i32, i32
  }
  func.func @transform_12(%arg0: i32) -> (i32, i32) {
    %c0_i32 = arith.constant 0 : i32
    %c0_i32_0 = arith.constant 0 : i32
    %c0_i32_1 = arith.constant 0 : i32
    return %c0_i32, %c0_i32_0 : i32, i32
  }
  func.func @transform_13(%arg0: i32) -> (i32, i32) {
    %c0_i32 = arith.constant 0 : i32
    %c0_i32_0 = arith.constant 0 : i32
    %c0_i32_1 = arith.constant 0 : i32
    return %c0_i32, %c0_i32_0 : i32, i32
  }
  func.func @transform_14(%arg0: i32) -> (i32, i32) {
    %c0_i32 = arith.constant 0 : i32
    %c0_i32_0 = arith.constant 0 : i32
    %c0_i32_1 = arith.constant 0 : i32
    return %c0_i32, %c0_i32_0 : i32, i32
  }
  func.func @transform_15(%arg0: i32) -> (i32, i32) {
    %c0_i32 = arith.constant 0 : i32
    %c0_i32_0 = arith.constant 0 : i32
    %c0_i32_1 = arith.constant 0 : i32
    return %c0_i32, %c0_i32_0 : i32, i32
  }
  func.func @transform_16(%arg0: i32) -> (i32, i32) {
    %c0_i32 = arith.constant 0 : i32
    %c0_i32_0 = arith.constant 0 : i32
    return %arg0, %c0_i32 : i32, i32
  }
}

</mosaic_0001>

<sc_bundles>
// kernel: kernel.6.cloned.1.call-start
scs
__scs_entry_jumppad:
0x0: {  	(pc) =	sbr.rel $0x88, $3  }
0x1: {  	(tag) =	ssettag $0x0;
	lr =	simm.s32 $0x1  }
0x2: {  	[smem:$0x3F8C] =	sst lr;
	_ =	strace $0xD0000000  }
0x3: {  	_ = 	snop  }
0x4: {  	_ = 	snop  }
0x5: {  	_ = 	snop  }
0x6: {  	_ = 	snop  }
0x7: {  	_ = 	snop  }
__scs_overlays_trampoline_lowered:
0x8: {  	[smem:$0x3F9B] =	sst s0  }
0x9: {  	[smem:$0x3F9C] =	sst s1  }
0xa: {  	[smem:$0x3F9D] =	sst s2  }
0xb: {  	[smem:$0x3F9E] =	sst s3  }
0xc: {  	[smem:$0x3F9F] =	sst s4  }
0xd: {  	[smem:$0x3FA0] =	sst s5  }
0xe: {  	[smem:$0x3FA1] =	sst s6  }
0xf: {  	[smem:$0x3FA2] =	sst s7  }
0x10: {  	[smem:$0x3FA3] =	sst s8  }
0x11: {  	[smem:$0x3FA4] =	sst s9;
	s0 =	simm.s32 @!p0 $0x0  }
0x12: {  	s1 =	sld [smem:$0x3F8A];
	s0 =	simm.s32 @p0 $0x1  }
0x13: {  	[smem:$0x3FA5] =	sst s0;
	s0 =	simm.s32 @!p1 $0x0  }
0x14: {  	s2 =	sld [smem:$0x3F89];
	s0 =	simm.s32 @p1 $0x1  }
0x15: {  	[smem:$0x3FA6] =	sst s0;
	s0 =	simm.s32 @!p2 $0x0  }
0x16: {  	s3 =	sld [smem:$0x3FDB];
	s0 =	simm.s32 @p2 $0x1  }
0x17: {  	s4 =	simm.s32 $0x1BF5;
	[smem:$0x3FA8] =	sst s0  }
0x18: {  	s0 =	sld [smem:$0x3F8B];
	_ =	swait.ge [sflag:s4], $0x0  }
0x19: {  	s7 =	sld [smem:$0x3F8C]  }
0x1a: {  	s8 =	sadd.s32 $0xFFFFE003, lr  }
0x1b: {  	s9 =	sadd.s32 $0xFFFFFEF7, lr;
	s5 =	simm.s32 $0xFFFFFFFF;
	p2 =	slt.u32 s8, $0xFFFFF086  }
0x1c: {  	p1 =	slt.u32 s9, $0xF7A;
	s5 =	simm.s32 @!p2 $0x0  }
0x1d: {  	s5 =	simm.s32 @p1 $0x1;
	p0 =	seq.s32 s7, s2  }
0x1e: {  	s7 =	smul.u32 @!p0 $0xF7A, s2;
	p2 =	seq.s32 @!p0 s5, $0x0  }
0x1f: {  	s9 =	smul.u32 $0xF7A, s1;
	s8 =	simm.s32 @!p0 $0x1BF5;
	p2 =	por !p2, p0  }
0x20: {  	[sflag:s8] =	ssyncset.s32 @!p0 $0xFFFFF086;
	s6 =	sadd.s32 @!p0 s3, s7;
	s7 =	simm.s32 @!p0 $0x108  }
0x21: {  	s3 =	sadd.s32 s3, s9;
	s6 =	sadd.s32 @!p0 $0x88, s6;
	s7 =	simm.s32 @p2 $0x1082  }
0x22: {  	[simem:s7], [sflag:s8] =	dma.local @!p0 [hbm:s6], $0xF7A  }
0x23: {  	s9 =	sor.u32 $0xD0000000, s2;
	s6 =	simm.s32 $0x108;
	_ =	swait.ge @!p0 [sflag:s8], $0x0  }
0x24: {  	s3 =	sadd.s32 $0x88, s3;
	s6 =	simm.s32 @!p1 $0x1082;
	[sflag:s4] =	ssyncset.s32 $0xFFFFF086  }
0x25: {  	[simem:s6], [sflag:s4] =	dma.local [hbm:s3], $0xF7A  }
0x26: {  	[smem:$0x3F8C] =	sst s1;
	(tag) =	ssettag s2;
	_ =	strace s9  }
0x27: {  	s1 =	sld [smem:$0x3F9C]  }
0x28: {  	s2 =	sld [smem:$0x3F9D]  }
0x29: {  	s4 =	sld [smem:$0x3F9F]  }
0x2a: {  	p0 =	seq.s32 s5, $0x0;
	s5 =	sld [smem:$0x3FA0]  }
0x2b: {  	s6 =	sld [smem:$0x3FA1]  }
0x2c: {  	s7 =	sld [smem:$0x3FA2]  }
0x2d: {  	s3 =	simm.s32 $0x108;
	s8 =	sld [smem:$0x3FA3]  }
0x2e: {  	s3 =	simm.s32 @!p0 $0x1082;
	s9 =	sld [smem:$0x3FA4]  }
0x2f: {  	lr =	sadd.s32 s0, s3;
	s0 =	sld [smem:$0x3F9B]  }
0x30: {  	s3 =	sld [smem:$0x3F9E]  }
0x31: {  	[smem:$0x3FA7] =	sst s10  }
0x32: {  	s10 =	sld [smem:$0x3FA5];
	_ =	sdelay $0x3  }
0x33: {  	p0 =	seq.s32 s10, $0x1;
	s10 =	sld [smem:$0x3FA7];
	_ =	sdelay $0x3  }
0x34: {  	[smem:$0x3FA7] =	sst s10  }
0x35: {  	s10 =	sld [smem:$0x3FA6];
	_ =	sdelay $0x3  }
0x36: {  	p1 =	seq.s32 s10, $0x1;
	s10 =	sld [smem:$0x3FA7];
	_ =	sdelay $0x3  }
0x37: {  	[smem:$0x3FA7] =	sst s10  }
0x38: {  	s10 =	sld [smem:$0x3FA8]  }
0x39: {  	_ = 	snop;
	(pc) =	sbr.ind lr, $3  }
0x3a: {  	_ = 	snop  }
0x3b: {  	_ = 	snop  }
0x3c: {  	p2 =	seq.s32 s10, $0x1;
	s10 =	sld [smem:$0x3FA7]  }
0x3d: {  	_ =	shalt  }
0x3e: {  	_ =	shalt  }
0x3f: {  	_ =	shalt  }
0x40: {  	_ =	shalt  }
0x41: {  	_ =	shalt  }
0x42: {  	_ =	shalt  }
0x43: {  	_ =	shalt  }
0x44: {  	_ =	shalt  }
0x45: {  	_ =	shalt  }
0x46: {  	_ =	shalt  }
0x47: {  	_ =	shalt  }
0x48: {  	_ =	shalt  }
0x49: {  	_ =	shalt  }
0x4a: {  	_ =	shalt  }
0x4b: {  	_ =	shalt  }
0x4c: {  	_ =	shalt  }
0x4d: {  	_ =	shalt  }
0x4e: {  	_ =	shalt  }
0x4f: {  	_ =	shalt  }
0x50: {  	_ =	shalt  }
0x51: {  	_ =	shalt  }
0x52: {  	_ =	shalt  }
0x53: {  	_ =	shalt  }
0x54: {  	_ =	shalt  }
0x55: {  	_ =	shalt  }
0x56: {  	_ =	shalt  }
0x57: {  	_ =	shalt  }
0x58: {  	_ =	shalt  }
0x59: {  	_ =	shalt  }
0x5a: {  	_ =	shalt  }
0x5b: {  	_ =	shalt  }
0x5c: {  	_ =	shalt  }
0x5d: {  	_ =	shalt  }
0x5e: {  	_ =	shalt  }
0x5f: {  	_ =	shalt  }
0x60: {  	_ =	shalt  }
0x61: {  	_ =	shalt  }
0x62: {  	_ =	shalt  }
0x63: {  	_ =	shalt  }
0x64: {  	_ =	shalt  }
0x65: {  	_ =	shalt  }
0x66: {  	_ =	shalt  }
0x67: {  	_ =	shalt  }
0x68: {  	_ =	shalt  }
0x69: {  	_ =	shalt  }
0x6a: {  	_ =	shalt  }
0x6b: {  	_ =	shalt  }
0x6c: {  	_ =	shalt  }
0x6d: {  	_ =	shalt  }
0x6e: {  	_ =	shalt  }
0x6f: {  	_ =	shalt  }
0x70: {  	_ =	shalt  }
0x71: {  	_ =	shalt  }
0x72: {  	_ =	shalt  }
0x73: {  	_ =	shalt  }
0x74: {  	_ =	shalt  }
0x75: {  	_ =	shalt  }
0x76: {  	_ =	shalt  }
0x77: {  	_ =	shalt  }
0x78: {  	_ =	shalt  }
0x79: {  	_ =	shalt  }
0x7a: {  	_ =	shalt  }
0x7b: {  	_ =	shalt  }
0x7c: {  	_ =	shalt  }
0x7d: {  	_ =	shalt  }
0x7e: {  	_ =	shalt  }
0x7f: {  	_ =	shalt  }
0x80: {  	_ =	shalt  }
0x81: {  	_ =	shalt  }
0x82: {  	_ =	shalt  }
0x83: {  	_ =	shalt  }
0x84: {  	_ =	shalt  }
0x85: {  	_ =	shalt  }
0x86: {  	_ =	shalt  }
0x87: {  	_ =	shalt  }
.Lfunc_end0:
.L_simem_size_0:
called_computation_lowered:
.L_overlay_start_0:
0x88: {  	s2 =	sld [smem:$0x3FD9]  }
0x89: {  	s3 =	sld [smem:$0x3FFE];
	_ =	sdelay $0x1  }
0x8a: {  	s1 =	srdreg.scid  }
0x8b: {  	s0 =	sand.u32 $0x1, s1  }
0x8c: {  	s14 =	sshll.u32 s0, $0xA;
	s2 =	sadd.s32 s3, s2  }
0x8d: {  	s2 =	sadd.s32 s2, s14  }
0x8e: {  	[smem:$0x3FB3] =	sst s2  }
0x8f: {  	_ = 	snop  }
0x90: {  	s2 =	sld [smem:$0x3FD0];
	_ =	sdelay $0x2  }
0x91: {  	s4 =	simm.s32 $0xA;
	s5 =	simm.s32 $0x10;
	s15 =	sld [smem:$0x3FC9]  }
0x92: {  	[smem:s5], [sflag:s4] =	dma.local [hbm:s2], $0x1  }
0x93: {  	_ =	swait.eq [sflag:s4], $0x1  }
0x94: {  	[sflag:s4] =	ssyncset.done $0x0  }
0x95: {  	s16 =	sld [smem:$0x10];
	[sflag:s4] =	ssyncadd.s32 $0xFFFFFFFF  }
0x96: {  	s17 =	sld [smem:$0x11];
	(tm) =	ssettm $0x1  }
0x97: {  	s18 =	sld [smem:$0x3FFB];
	_ =	sdelay $0x3  }
0x98: {  	_ =	strace s18  }
0x99: {  	s5 =	sld [smem:$0x3FFC];
	_ =	sdelay $0x3  }
0x9a: {  	_ =	strace s5  }
0x9b: {  	s5 =	sld [smem:$0x3FFD];
	_ =	sdelay $0x3  }
0x9c: {  	_ =	strace s5  }
0x9d: {  	_ =	strace $0x8FFFFFFF  }
0x9e: {  	s19 =	sld [smem:$0x3FDB];
	_ =	sdelay $0x1  }
0x9f: {  	s6 =	simm.s32 $_scs_section_size  }
0xa0: {  	s7 =	simm.s32 $_size__tile_overlayer_lowered;
	s8 =	simm.s32 $_tile_overlayer_lowered  }
0xa1: {  	s22 =	simm.s32 $0x1BFF;
	s21 =	sshll.u32 s8, $0x1;
	s5 =	sadd.s32 s6, s19  }
0xa2: {  	s9 =	simm.s32 $0x0;
	s20 =	sshll.u32 s7, $0x1;
	s7 =	sadd.s32 s21, s5  }
0xa3: {  	[timem:s9], [sflag:s22] =	dma.local [hbm:s7], s20  }
0xa4: {  	_ =	swait.ge [sflag:s22], s20  }
0xa5: {  	s6 =	ssub.s32 $0x0, s20;
	[sflag:s22] =	ssyncset.done $0x0  }
0xa6: {  	[sflag:s22] =	ssyncadd.s32 s6;
	_ =	sdelay $0x1  }
0xa7: {  	s23 =	simm.s32 $0x1B8B  }
0xa8: {  	_ =	swait.ge [sflag:s23], $0x1  }
0xa9: {  	[sflag:s23] =	ssyncset.done $0x0  }
0xaa: {  	s25 =	simm.s32 $0x1B8E;
	s24 =	sld [smem:$0x3FFE];
	[sflag:s23] =	ssyncadd.s32 $0xFFFFFFFF  }
0xab: {  	s26 =	simm.s32 $execute0_lowered;
	[smem:$0x3FD2] =	sst s25  }
0xac: {  	s7 =	sshll.u32 s26, $0x1;
	_ =	strace $0x80000046;
	[dreg:$0x1] =	wrdreg $0xFFFFFFFF  }
0xad: {  	s28 =	simm.s32 $_size_execute0_lowered;
	s5 =	sadd.s32 s5, s7;
	[dreg:$0x0] =	wrdreg $0x0  }
0xae: {  	s7 =	sshll.u32 s28, $0x1;
	[dreg:$0x2] =	wrdreg s5  }
0xaf: {  	[dreg:$0x3] =	wrdreg s7  }
0xb0: {  	[dreg:$0x4] =	wrdreg $0xC0  }
0xb1: {  	_ =	task [dreg:s9], $0x5FFFF  }
0xb2: {  	[dreg:$0x1] =	wrdreg $0xFFFFFFFF  }
0xb3: {  	[dreg:$0x0] =	wrdreg $0x60  }
0xb4: {  	[dreg:$0x2] =	wrdreg s15  }
0xb5: {  	[dreg:$0x3] =	wrdreg s17  }
0xb6: {  	[dreg:$0x4] =	wrdreg s16  }
0xb7: {  	[dreg:$0x5] =	wrdreg s24  }
0xb8: {  	[dreg:$0x6] =	wrdreg $0x9  }
0xb9: {  	_ =	task.clear_ibuf [dreg:s9], $0x7FFFF;
	_ =	strace $0x90000046  }
0xba: {  	s29 =	simm.s32 $0x9;
	_ =	strace $0x80000048  }
0xbb: {  	_ =	swait.ge [sflag:s29], $0x1  }
0xbc: {  	[sflag:s29] =	ssyncadd.s32 $0xFFFFFFFF  }
0xbd: {  	_ =	strace $0x90000048  }
0xbe: {  	_ =	sfence  }
0xbf: {  	s30 =	sld [smem:$0x0];
	_ =	sdelay $0x2  }
0xc0: {  	s31 =	sshll.u32 s1, $0xD;
	s1 =	sshrl.u32 s1, $0x2  }
0xc1: {  	s3 =	sand.u32 $0x4000, s31;
	s1 =	sadd.s32 s1, s30  }
0xc2: {  	s0 =	sor.u32 s3, s0;
	s1 =	sshll.u32 s1, $0x11  }
0xc3: {  	s0 =	sor.u32 s1, s0  }
0xc4: {  	s0 =	sadd.s32 $0x8F2B, s0  }
0xc5: {  	[sflag:s0] =	ssyncadd.remote.s32 $0x1  }
0xc6: {  	_ =	sfence.sel $0xFFFF  }
0xc7: {  	[dreg:$0x0] =	wrdreg $0xFFFFFFFF;
	(pc) =	sbr.abs _section_cstart, $3  }
0xc8: {  	[dreg:$0x1] =	wrdreg $0xFFFFFFFF  }
0xc9: {  	_ =	task.clear_ibuf [dreg:s9], $0x2FFFF;
	_ =	strace $0x9FFFFFFF  }
0xca: {  	(tm) =	ssettm $0x7FFFFFFF  }
0xcb: {  	_ =	shalt  }
tec
execute0_lowered:
.L_overlay_start_1:
0x0: {  	(tag) =	ssettag $0x1  }
0x1: {  	s1 =	rddreg [dreg:$0x0]  }
0x2: {  	s8 =	rddreg [dreg:$0x1]  }
0x3: {  	s7 =	rddreg [dreg:$0x2]  }
0x4: {  	s4 =	rddreg [dreg:$0x3]  }
0x5: {  	s0 =	rddreg [dreg:$0x4]  }
0x6: {  	s2 =	stileid.u32;
	s6 =	srdreg.scid;
	s3 =	simm.s32 $0x0  }
0x7: {  	s13 =	simm.s32 $0x2900;
	s14 =	simm.s32 $0x1;
	s5 =	smul.u32 $0x4E200, s2  }
0x8: {  	s15 =	simm.s32 $0x2;
	s6 =	sand.u32 $0x1, s6;
	s9 =	smul.u32 $0x4E20, s2  }
0x9: {  	s16 =	simm.s32 $0x0;
	s10 =	ssub.s32 $0x2, s6;
	s11 =	smul.u32 $0x2710, s6  }
0xa: {  	[smem:$0x7FF] =	sst s3;
	s6 =	smul.u32 $0x27100, s6;
	s12 =	sshrl.u32 s10, $0x1  }
0xb: {  	_ =	strace $0x80000047;
	s5 =	sadd.s32 s5, s4;
	s31 =	ssub.s32 s10, s12  }
0xc: {  	s9 =	sadd.s32 s11, s9;
	s6 =	sadd.s32 s6, s5;
	s10 =	simm.s32 $0x80  }
0xd: {  	s11 =	simm.s32 $0x50;
	s12 =	simm.s32 $0x100;
	s4 =	smax.u32 s31, $0x1  }
0xe: {  	s9 =	sshrl.u32 s9, $0x3;
	s5 =	sadd.s32 $0x5200, s6;
	s6 =	sadd.s32 $0x4E7200, s6  }
0xf: {  	s7 =	sadd.s32 s9, s7;
	s8 =	sadd.s32 s9, s8;
	s9 =	simm.s32 $0x3  }
.LBB2_1:
0x10: {  	s17 =	sadd.s32 $0x0, s8  }
0x11: {  	[tilespmem:s3], [sflag:$0x3] =	stream.linear.gather [hbm4b:s17+s3], $0x50, $0x38;
	[tilespmem:$0x5100] =	vst v63  }
0x12: {  	_ =	swait.ge [sflag:s9], $0x50  }
0x13: {  	[sflag:s9] =	ssyncset.done $0x0  }
0x14: {  	s31 =	sadd.s32 $0x0, s7;
	[sflag:s9] =	ssyncadd.s32 $0xFFFFFFB0  }
0x15: {  	[tilespmem:s10], [sflag:$0x3] =	stream.linear.gather [hbm4b:s31+s3], $0x50, $0x38;
	[tilespmem:$0x5100] =	vst v63  }
0x16: {  	_ =	swait.ge [sflag:s9], $0x50  }
0x17: {  	[sflag:s9] =	ssyncset.done $0x0  }
0x18: {  	[sflag:s9] =	ssyncadd.s32 $0xFFFFFFB0  }
0x19: {  	[tilespmem:s12], [sflag:$0x1] =	stream.indirect.gather [hbm4b:s1+s11], $0x80, s3, s11, $0xb8;
	[tilespmem:$0x5100] =	vst v63  }
0x1a: {  	_ = 	snop  }
0x1b: {  	[tilespmem:s13], [sflag:$0x2] =	stream.indirect.gather [hbm4b:s1+s11], $0x80, s10, s11, $0xb8;
	[tilespmem:$0x5100] =	vst v63  }
0x1c: {  	_ =	swait.ge [sflag:s14], $0x2800  }
0x1d: {  	[sflag:s14] =	ssyncset.done $0x0  }
0x1e: {  	[sflag:s14] =	ssyncadd.s32 $0xFFFFD800  }
0x1f: {  	_ =	swait.ge [sflag:s15], $0x2800  }
0x20: {  	[sflag:s15] =	ssyncset.done $0x0  }
0x21: {  	[sflag:s15] =	ssyncadd.s32 $0xFFFFD800  }
0x22: {  	[hbm4b:s5+s3] =	stream.linear.scatter [tilespmem:s12], [sflag:$0x3], $0x2800, $0x38;
	[tilespmem:$0x5100] =	vst v63  }
0x23: {  	_ =	swait.ge [sflag:s9], $0x2800  }
0x24: {  	[sflag:s9] =	ssyncset.done $0x0  }
0x25: {  	[sflag:s9] =	ssyncadd.s32 $0xFFFFD800  }
0x26: {  	[hbm4b:s6+s3] =	stream.linear.scatter [tilespmem:s13], [sflag:$0x3], $0x2800, $0x38;
	[tilespmem:$0x5100] =	vst v63  }
0x27: {  	s19 =	simm.s32 $0xA;
	s20 =	simm.s32 $0x14;
	_ =	swait.ge [sflag:s9], $0x2800  }
0x28: {  	s18 =	sadd.s32 $0x500, s5;
	s17 =	sadd.s32 $0x500, s6;
	[sflag:s9] =	ssyncset.done $0x0  }
.LBB2_2:
0x29: {  	s21 =	sadd.s32 s19, s8  }
0x2a: {  	[sflag:s9] =	ssyncadd.s32 $0xFFFFD800;
	s22 =	smov.u32 s20;
	s23 =	sadd.s32 $0xA, s20  }
0x2b: {  	[tilespmem:s3], [sflag:$0x3] =	stream.linear.gather [hbm4b:s21+s3], $0x50, $0x38;
	[tilespmem:$0x5100] =	vst v63  }
0x2c: {  	p0 =	sne.s32 s20, $0x4D8;
	_ =	swait.ge [sflag:s9], $0x50  }
0x2d: {  	[sflag:s9] =	ssyncset.done $0x0  }
0x2e: {  	s20 =	sadd.s32 s19, s7;
	s19 =	smov.u32 s22;
	[sflag:s9] =	ssyncadd.s32 $0xFFFFFFB0  }
0x2f: {  	[tilespmem:s10], [sflag:$0x3] =	stream.linear.gather [hbm4b:s20+s3], $0x50, $0x38;
	[tilespmem:$0x5100] =	vst v63  }
0x30: {  	_ =	swait.ge [sflag:s9], $0x50  }
0x31: {  	[sflag:s9] =	ssyncset.done $0x0  }
0x32: {  	[sflag:s9] =	ssyncadd.s32 $0xFFFFFFB0  }
0x33: {  	[tilespmem:s12], [sflag:$0x1] =	stream.indirect.gather [hbm4b:s1+s11], $0x80, s3, s11, $0xb8;
	[tilespmem:$0x5100] =	vst v63  }
0x34: {  	_ = 	snop  }
0x35: {  	[tilespmem:s13], [sflag:$0x2] =	stream.indirect.gather [hbm4b:s1+s11], $0x80, s10, s11, $0xb8;
	[tilespmem:$0x5100] =	vst v63  }
0x36: {  	_ =	swait.ge [sflag:s14], $0x2800  }
0x37: {  	[sflag:s14] =	ssyncset.done $0x0  }
0x38: {  	[sflag:s14] =	ssyncadd.s32 $0xFFFFD800  }
0x39: {  	_ =	swait.ge [sflag:s15], $0x2800  }
0x3a: {  	[sflag:s15] =	ssyncset.done $0x0  }
0x3b: {  	[sflag:s15] =	ssyncadd.s32 $0xFFFFD800  }
0x3c: {  	[hbm4b:s18+s3] =	stream.linear.scatter [tilespmem:s12], [sflag:$0x3], $0x2800, $0x38;
	[tilespmem:$0x5100] =	vst v63  }
0x3d: {  	_ =	swait.ge [sflag:s9], $0x2800  }
.Ltmp0:
0x3e: {  	[sflag:s9] =	ssyncset.done $0x0;
	(pc) =	sbr.rel @p0 .LBB2_2-.Ltmp0, $4  }
0x3f: {  	[sflag:s9] =	ssyncadd.s32 $0xFFFFD800  }
0x40: {  	[hbm4b:s17+s3] =	stream.linear.scatter [tilespmem:s13], [sflag:$0x3], $0x2800, $0x38;
	[tilespmem:$0x5100] =	vst v63  }
0x41: {  	s20 =	smov.u32 s23;
	_ =	swait.ge [sflag:s9], $0x2800  }
0x42: {  	s18 =	sadd.s32 $0x500, s18;
	s17 =	sadd.s32 $0x500, s17;
	[sflag:s9] =	ssyncset.done $0x0  }
0x43: {  	s20 =	sadd.s32 s19, s8;
	[sflag:s9] =	ssyncadd.s32 $0xFFFFD800  }
0x44: {  	[tilespmem:s3], [sflag:$0x3] =	stream.linear.gather [hbm4b:s20+s3], $0x50, $0x38;
	[tilespmem:$0x5100] =	vst v63  }
0x45: {  	_ =	swait.ge [sflag:s9], $0x50  }
0x46: {  	[sflag:s9] =	ssyncset.done $0x0  }
0x47: {  	s31 =	sadd.s32 s19, s7;
	[sflag:s9] =	ssyncadd.s32 $0xFFFFFFB0  }
0x48: {  	[tilespmem:s10], [sflag:$0x3] =	stream.linear.gather [hbm4b:s31+s3], $0x50, $0x38;
	[tilespmem:$0x5100] =	vst v63  }
0x49: {  	_ =	swait.ge [sflag:s9], $0x50  }
0x4a: {  	[sflag:s9] =	ssyncset.done $0x0  }
0x4b: {  	[sflag:s9] =	ssyncadd.s32 $0xFFFFFFB0  }
0x4c: {  	[tilespmem:s12], [sflag:$0x1] =	stream.indirect.gather [hbm4b:s1+s11], $0x80, s3, s11, $0xb8;
	[tilespmem:$0x5100] =	vst v63  }
0x4d: {  	_ = 	snop  }
0x4e: {  	[tilespmem:s13], [sflag:$0x2] =	stream.indirect.gather [hbm4b:s1+s11], $0x80, s10, s11, $0xb8;
	[tilespmem:$0x5100] =	vst v63  }
0x4f: {  	_ =	swait.ge [sflag:s14], $0x2800  }
0x50: {  	[sflag:s14] =	ssyncset.done $0x0  }
0x51: {  	[sflag:s14] =	ssyncadd.s32 $0xFFFFD800  }
0x52: {  	_ =	swait.ge [sflag:s15], $0x2800  }
0x53: {  	[sflag:s15] =	ssyncset.done $0x0  }
0x54: {  	[sflag:s15] =	ssyncadd.s32 $0xFFFFD800  }
0x55: {  	[hbm4b:s18+s3] =	stream.linear.scatter [tilespmem:s12], [sflag:$0x3], $0x2800, $0x38;
	[tilespmem:$0x5100] =	vst v63  }
0x56: {  	s16 =	sadd.s32 $0x1, s16;
	_ =	swait.ge [sflag:s9], $0x2800  }
0x57: {  	p0 =	sne.s32 s16, s4;
	[sflag:s9] =	ssyncset.done $0x0  }
.Ltmp1:
0x58: {  	[sflag:s9] =	ssyncadd.s32 $0xFFFFD800;
	(pc) =	sbr.rel @p0 .LBB2_1-.Ltmp1, $4  }
0x59: {  	[hbm4b:s17+s3] =	stream.linear.scatter [tilespmem:s13], [sflag:$0x3], $0x2800, $0x38;
	[tilespmem:$0x5100] =	vst v63  }
0x5a: {  	_ =	swait.ge [sflag:s9], $0x2800  }
0x5b: {  	[sflag:s9] =	ssyncset.done $0x0  }
0x5c: {  	[sflag:s9] =	ssyncadd.s32 $0xFFFFD800  }
0x5d: {  	_ =	sfence.sel $0x180000  }
0x5e: {  	[bflag:$0x0] =	sbarrier.arrive $0xFFFF  }
0x5f: {  	p0 =	sne.s32 s2, $0x0;
	_ =	strace $0x90000047  }
0x60: {  	s0 =	sadd.s32 @!p0 $0x100000, s0;
	[bflag:$0x2] =	sbarrier.arrive $0xFFFF  }
0x61: {  	[sflag:s0] =	ssyncadd.tile.s32 @!p0 $0x1;
	_ =	shalt  }
.Lfunc_end2:
_tile_overlayer_lowered:
.L_overlay_start_2:
0x62: {  	(tag) =	ssettag $0x2  }
0x63: {  	s0 =	rddreg [dreg:$0x0];
	s2 =	stileid.u32  }
0x64: {  	s1 =	rddreg [dreg:$0x1];
	p0 =	sne.s32 s2, $0x0  }
0x65: {  	s3 =	rddreg [dreg:$0x2];
	[bflag:$0x3] =	sbarrier.arrive $0xFFFF;
	s2 =	simm.s32 @!p0 $0x1C03  }
0x66: {  	[timem:s3], [sflag:s2] =	dma.local @!p0 [hbm:s0], s1  }
0x67: {  	s0 =	simm.s32 @!p0 $0x3  }
0x68: {  	_ =	swait.ge @!p0 [sflag:s0], s1  }
0x69: {  	s1 =	ssub.s32 @!p0 $0x0, s1;
	[sflag:s0] =	ssyncset.done @!p0 $0x0  }
0x6a: {  	[sflag:s0] =	ssyncadd.s32 @!p0 s1  }
0x6b: {  	[bflag:$0x3] =	sbarrier.arrive $0xFFFF  }
0x6c: {  	_ =	shalt  }

// kernel: kernel.9.cloned.1.call-start
scs
__scs_entry_jumppad:
0x0: {  	(pc) =	sbr.rel $0x88, $3  }
0x1: {  	(tag) =	ssettag $0x0;
	lr =	simm.s32 $0x1  }
0x2: {  	[smem:$0x3F8C] =	sst lr;
	_ =	strace $0xD0000000  }
0x3: {  	_ = 	snop  }
0x4: {  	_ = 	snop  }
0x5: {  	_ = 	snop  }
0x6: {  	_ = 	snop  }
0x7: {  	_ = 	snop  }
__scs_overlays_trampoline_lowered:
0x8: {  	[smem:$0x3F9B] =	sst s0  }
0x9: {  	[smem:$0x3F9C] =	sst s1  }
0xa: {  	[smem:$0x3F9D] =	sst s2  }
0xb: {  	[smem:$0x3F9E] =	sst s3  }
0xc: {  	[smem:$0x3F9F] =	sst s4  }
0xd: {  	[smem:$0x3FA0] =	sst s5  }
0xe: {  	[smem:$0x3FA1] =	sst s6  }
0xf: {  	[smem:$0x3FA2] =	sst s7  }
0x10: {  	[smem:$0x3FA3] =	sst s8  }
0x11: {  	[smem:$0x3FA4] =	sst s9;
	s0 =	simm.s32 @!p0 $0x0  }
0x12: {  	s1 =	sld [smem:$0x3F8A];
	s0 =	simm.s32 @p0 $0x1  }
0x13: {  	[smem:$0x3FA5] =	sst s0;
	s0 =	simm.s32 @!p1 $0x0  }
0x14: {  	s2 =	sld [smem:$0x3F89];
	s0 =	simm.s32 @p1 $0x1  }
0x15: {  	[smem:$0x3FA6] =	sst s0;
	s0 =	simm.s32 @!p2 $0x0  }
0x16: {  	s3 =	sld [smem:$0x3FDB];
	s0 =	simm.s32 @p2 $0x1  }
0x17: {  	s4 =	simm.s32 $0x1BF5;
	[smem:$0x3FA8] =	sst s0  }
0x18: {  	s0 =	sld [smem:$0x3F8B];
	_ =	swait.ge [sflag:s4], $0x0  }
0x19: {  	s7 =	sld [smem:$0x3F8C]  }
0x1a: {  	s8 =	sadd.s32 $0xFFFFE003, lr  }
0x1b: {  	s9 =	sadd.s32 $0xFFFFFEF7, lr;
	s5 =	simm.s32 $0xFFFFFFFF;
	p2 =	slt.u32 s8, $0xFFFFF086  }
0x1c: {  	p1 =	slt.u32 s9, $0xF7A;
	s5 =	simm.s32 @!p2 $0x0  }
0x1d: {  	s5 =	simm.s32 @p1 $0x1;
	p0 =	seq.s32 s7, s2  }
0x1e: {  	s7 =	smul.u32 @!p0 $0xF7A, s2;
	p2 =	seq.s32 @!p0 s5, $0x0  }
0x1f: {  	s9 =	smul.u32 $0xF7A, s1;
	s8 =	simm.s32 @!p0 $0x1BF5;
	p2 =	por !p2, p0  }
0x20: {  	[sflag:s8] =	ssyncset.s32 @!p0 $0xFFFFF086;
	s6 =	sadd.s32 @!p0 s3, s7;
	s7 =	simm.s32 @!p0 $0x108  }
0x21: {  	s3 =	sadd.s32 s3, s9;
	s6 =	sadd.s32 @!p0 $0x88, s6;
	s7 =	simm.s32 @p2 $0x1082  }
0x22: {  	[simem:s7], [sflag:s8] =	dma.local @!p0 [hbm:s6], $0xF7A  }
0x23: {  	s9 =	sor.u32 $0xD0000000, s2;
	s6 =	simm.s32 $0x108;
	_ =	swait.ge @!p0 [sflag:s8], $0x0  }
0x24: {  	s3 =	sadd.s32 $0x88, s3;
	s6 =	simm.s32 @!p1 $0x1082;
	[sflag:s4] =	ssyncset.s32 $0xFFFFF086  }
0x25: {  	[simem:s6], [sflag:s4] =	dma.local [hbm:s3], $0xF7A  }
0x26: {  	[smem:$0x3F8C] =	sst s1;
	(tag) =	ssettag s2;
	_ =	strace s9  }
0x27: {  	s1 =	sld [smem:$0x3F9C]  }
0x28: {  	s2 =	sld [smem:$0x3F9D]  }
0x29: {  	s4 =	sld [smem:$0x3F9F]  }
0x2a: {  	p0 =	seq.s32 s5, $0x0;
	s5 =	sld [smem:$0x3FA0]  }
0x2b: {  	s6 =	sld [smem:$0x3FA1]  }
0x2c: {  	s7 =	sld [smem:$0x3FA2]  }
0x2d: {  	s3 =	simm.s32 $0x108;
	s8 =	sld [smem:$0x3FA3]  }
0x2e: {  	s3 =	simm.s32 @!p0 $0x1082;
	s9 =	sld [smem:$0x3FA4]  }
0x2f: {  	lr =	sadd.s32 s0, s3;
	s0 =	sld [smem:$0x3F9B]  }
0x30: {  	s3 =	sld [smem:$0x3F9E]  }
0x31: {  	[smem:$0x3FA7] =	sst s10  }
0x32: {  	s10 =	sld [smem:$0x3FA5];
	_ =	sdelay $0x3  }
0x33: {  	p0 =	seq.s32 s10, $0x1;
	s10 =	sld [smem:$0x3FA7];
	_ =	sdelay $0x3  }
0x34: {  	[smem:$0x3FA7] =	sst s10  }
0x35: {  	s10 =	sld [smem:$0x3FA6];
	_ =	sdelay $0x3  }
0x36: {  	p1 =	seq.s32 s10, $0x1;
	s10 =	sld [smem:$0x3FA7];
	_ =	sdelay $0x3  }
0x37: {  	[smem:$0x3FA7] =	sst s10  }
0x38: {  	s10 =	sld [smem:$0x3FA8]  }
0x39: {  	_ = 	snop;
	(pc) =	sbr.ind lr, $3  }
0x3a: {  	_ = 	snop  }
0x3b: {  	_ = 	snop  }
0x3c: {  	p2 =	seq.s32 s10, $0x1;
	s10 =	sld [smem:$0x3FA7]  }
0x3d: {  	_ =	shalt  }
0x3e: {  	_ =	shalt  }
0x3f: {  	_ =	shalt  }
0x40: {  	_ =	shalt  }
0x41: {  	_ =	shalt  }
0x42: {  	_ =	shalt  }
0x43: {  	_ =	shalt  }
0x44: {  	_ =	shalt  }
0x45: {  	_ =	shalt  }
0x46: {  	_ =	shalt  }
0x47: {  	_ =	shalt  }
0x48: {  	_ =	shalt  }
0x49: {  	_ =	shalt  }
0x4a: {  	_ =	shalt  }
0x4b: {  	_ =	shalt  }
0x4c: {  	_ =	shalt  }
0x4d: {  	_ =	shalt  }
0x4e: {  	_ =	shalt  }
0x4f: {  	_ =	shalt  }
0x50: {  	_ =	shalt  }
0x51: {  	_ =	shalt  }
0x52: {  	_ =	shalt  }
0x53: {  	_ =	shalt  }
0x54: {  	_ =	shalt  }
0x55: {  	_ =	shalt  }
0x56: {  	_ =	shalt  }
0x57: {  	_ =	shalt  }
0x58: {  	_ =	shalt  }
0x59: {  	_ =	shalt  }
0x5a: {  	_ =	shalt  }
0x5b: {  	_ =	shalt  }
0x5c: {  	_ =	shalt  }
0x5d: {  	_ =	shalt  }
0x5e: {  	_ =	shalt  }
0x5f: {  	_ =	shalt  }
0x60: {  	_ =	shalt  }
0x61: {  	_ =	shalt  }
0x62: {  	_ =	shalt  }
0x63: {  	_ =	shalt  }
0x64: {  	_ =	shalt  }
0x65: {  	_ =	shalt  }
0x66: {  	_ =	shalt  }
0x67: {  	_ =	shalt  }
0x68: {  	_ =	shalt  }
0x69: {  	_ =	shalt  }
0x6a: {  	_ =	shalt  }
0x6b: {  	_ =	shalt  }
0x6c: {  	_ =	shalt  }
0x6d: {  	_ =	shalt  }
0x6e: {  	_ =	shalt  }
0x6f: {  	_ =	shalt  }
0x70: {  	_ =	shalt  }
0x71: {  	_ =	shalt  }
0x72: {  	_ =	shalt  }
0x73: {  	_ =	shalt  }
0x74: {  	_ =	shalt  }
0x75: {  	_ =	shalt  }
0x76: {  	_ =	shalt  }
0x77: {  	_ =	shalt  }
0x78: {  	_ =	shalt  }
0x79: {  	_ =	shalt  }
0x7a: {  	_ =	shalt  }
0x7b: {  	_ =	shalt  }
0x7c: {  	_ =	shalt  }
0x7d: {  	_ =	shalt  }
0x7e: {  	_ =	shalt  }
0x7f: {  	_ =	shalt  }
0x80: {  	_ =	shalt  }
0x81: {  	_ =	shalt  }
0x82: {  	_ =	shalt  }
0x83: {  	_ =	shalt  }
0x84: {  	_ =	shalt  }
0x85: {  	_ =	shalt  }
0x86: {  	_ =	shalt  }
0x87: {  	_ =	shalt  }
.Lfunc_end0:
.L_simem_size_0:
called_computation.1_lowered:
.L_overlay_start_0:
0x88: {  	s2 =	sld [smem:$0x3FD9]  }
0x89: {  	s3 =	sld [smem:$0x3FFE];
	_ =	sdelay $0x1  }
0x8a: {  	s1 =	srdreg.scid  }
0x8b: {  	s0 =	sand.u32 $0x1, s1  }
0x8c: {  	s14 =	sshll.u32 s0, $0xA;
	s2 =	sadd.s32 s3, s2  }
0x8d: {  	s2 =	sadd.s32 s2, s14  }
0x8e: {  	[smem:$0x3FB3] =	sst s2  }
0x8f: {  	_ = 	snop  }
0x90: {  	s2 =	sld [smem:$0x3FD0];
	_ =	sdelay $0x2  }
0x91: {  	s15 =	simm.s32 $0xA;
	s4 =	simm.s32 $0x10  }
0x92: {  	[smem:s4], [sflag:s15] =	dma.local [hbm:s2], $0x1  }
0x93: {  	_ =	swait.eq [sflag:s15], $0x1  }
0x94: {  	[sflag:s15] =	ssyncset.done $0x0  }
0x95: {  	[sflag:s15] =	ssyncadd.s32 $0xFFFFFFFF  }
0x96: {  	s16 =	sld [smem:$0x10];
	(tm) =	ssettm $0x1  }
0x97: {  	s17 =	sld [smem:$0x3FFB];
	_ =	sdelay $0x3  }
0x98: {  	_ =	strace s17  }
0x99: {  	s3 =	sld [smem:$0x3FFC];
	_ =	sdelay $0x3  }
0x9a: {  	_ =	strace s3  }
0x9b: {  	s3 =	sld [smem:$0x3FFD];
	_ =	sdelay $0x3  }
0x9c: {  	_ =	strace s3  }
0x9d: {  	_ =	strace $0x8FFFFFFF  }
0x9e: {  	s18 =	sld [smem:$0x3FDB];
	_ =	sdelay $0x1  }
0x9f: {  	s19 =	simm.s32 $_scs_section_size  }
0xa0: {  	s5 =	simm.s32 $_size__tile_overlayer_lowered;
	s6 =	simm.s32 $_tile_overlayer_lowered  }
0xa1: {  	s22 =	simm.s32 $0x1BFF;
	s21 =	sshll.u32 s6, $0x1;
	s3 =	sadd.s32 s19, s18  }
0xa2: {  	s7 =	simm.s32 $0x0;
	s20 =	sshll.u32 s5, $0x1;
	s5 =	sadd.s32 s21, s3  }
0xa3: {  	[timem:s7], [sflag:s22] =	dma.local [hbm:s5], s20  }
0xa4: {  	_ =	swait.ge [sflag:s22], s20  }
0xa5: {  	s4 =	ssub.s32 $0x0, s20;
	[sflag:s22] =	ssyncset.done $0x0  }
0xa6: {  	[sflag:s22] =	ssyncadd.s32 s4;
	_ =	sdelay $0x1  }
0xa7: {  	s23 =	simm.s32 $0x1B8B  }
0xa8: {  	_ =	swait.ge [sflag:s23], $0x1  }
0xa9: {  	[sflag:s23] =	ssyncset.done $0x0  }
0xaa: {  	s25 =	simm.s32 $0x1B8E;
	s24 =	sld [smem:$0x3FFE];
	[sflag:s23] =	ssyncadd.s32 $0xFFFFFFFF  }
0xab: {  	s26 =	simm.s32 $execute0_lowered;
	[smem:$0x3FD2] =	sst s25  }
0xac: {  	s5 =	sshll.u32 s26, $0x1;
	_ =	strace $0x80000049;
	[dreg:$0x1] =	wrdreg $0xFFFFFFFF  }
0xad: {  	s28 =	simm.s32 $_size_execute0_lowered;
	s3 =	sadd.s32 s3, s5;
	[dreg:$0x0] =	wrdreg $0x0  }
0xae: {  	s5 =	sshll.u32 s28, $0x1;
	[dreg:$0x2] =	wrdreg s3  }
0xaf: {  	[dreg:$0x3] =	wrdreg s5  }
0xb0: {  	[dreg:$0x4] =	wrdreg $0xC0  }
0xb1: {  	_ =	task [dreg:s7], $0x5FFFF  }
0xb2: {  	[dreg:$0x1] =	wrdreg $0xFFFFFFFF  }
0xb3: {  	[dreg:$0x0] =	wrdreg $0x60  }
0xb4: {  	[dreg:$0x2] =	wrdreg s24  }
0xb5: {  	[dreg:$0x3] =	wrdreg s16  }
0xb6: {  	[dreg:$0x4] =	wrdreg $0x9  }
0xb7: {  	_ =	task.clear_ibuf [dreg:s7], $0x5FFFF;
	_ =	strace $0x90000049  }
0xb8: {  	s29 =	simm.s32 $0x9;
	_ =	strace $0x8000004B  }
0xb9: {  	_ =	swait.ge [sflag:s29], $0x1  }
0xba: {  	[sflag:s29] =	ssyncadd.s32 $0xFFFFFFFF  }
0xbb: {  	_ =	strace $0x9000004B  }
0xbc: {  	_ =	sfence  }
0xbd: {  	s30 =	sld [smem:$0x0];
	_ =	sdelay $0x2  }
0xbe: {  	s31 =	sshll.u32 s1, $0xD;
	s1 =	sshrl.u32 s1, $0x2  }
0xbf: {  	s3 =	sand.u32 $0x4000, s31;
	s1 =	sadd.s32 s1, s30  }
0xc0: {  	s0 =	sor.u32 s3, s0;
	s1 =	sshll.u32 s1, $0x11  }
0xc1: {  	s0 =	sor.u32 s1, s0  }
0xc2: {  	s0 =	sadd.s32 $0x8F2B, s0  }
0xc3: {  	[sflag:s0] =	ssyncadd.remote.s32 $0x1  }
0xc4: {  	_ =	sfence.sel $0xFFFF  }
0xc5: {  	[dreg:$0x0] =	wrdreg $0xFFFFFFFF;
	(pc) =	sbr.abs _section_cstart, $3  }
0xc6: {  	[dreg:$0x1] =	wrdreg $0xFFFFFFFF  }
0xc7: {  	_ =	task.clear_ibuf [dreg:s7], $0x2FFFF;
	_ =	strace $0x9FFFFFFF  }
0xc8: {  	(tm) =	ssettm $0x7FFFFFFF  }
0xc9: {  	_ =	shalt  }
tec
execute0_lowered:
.L_overlay_start_1:
0x0: {  	(tag) =	ssettag $0x1  }
0x1: {  	s0 =	rddreg [dreg:$0x0]  }
0x2: {  	s2 =	rddreg [dreg:$0x1]  }
0x3: {  	s1 =	srdreg.scid;
	s4 =	stileid.u32  }
0x4: {  	s3 =	simm.s32 $0x0;
	s20 =	simm.s32 $0x1B780;
	s21 =	simm.s32 $0x1E700  }
0x5: {  	s22 =	simm.s32 $0x1;
	s23 =	simm.s32 $0x3;
	s24 =	simm.s32 $0x1EF00  }
0x6: {  	s25 =	simm.s32 $0xC800;
	s1 =	sand.u32 $0x1, s1;
	s4 =	sshll.u32 s4, $0x1  }
0x7: {  	s26 =	simm.s32 $0x2;
	s28 =	simm.s32 $0x4;
	s5 =	sor.u32 s1, s4  }
0x8: {  	[smem:$0x7FF] =	sst s3;
	s15 =	sadd.s32 $0x61FA00, s0;
	s6 =	smul.u32 $0x4E2, s5  }
0x9: {  	s29 =	simm.s32 $0x5;
	_ =	strace $0x8000004A;
	s7 =	smul.u32 $0xC800, s5  }
0xa: {  	s4 =	sadd.s32 $0x5200, s0;
	s1 =	ssub.s32 $0x2, s1;
	s9 =	smul.u32 $0x1900, s5  }
0xb: {  	s0 =	sadd.s32 $0x651A00, s0;
	s8 =	sshrl.u32 s1, $0x1;
	s5 =	smul.u32 $0x5, s5  }
0xc: {  	s1 =	ssub.s32 s1, s8;
	s14 =	sshrl.u32 s7, $0x3;
	s6 =	sadd.s32 s4, s6  }
0xd: {  	s7 =	sadd.s32 s15, s9;
	s8 =	sadd.s32 s0, s9;
	[dreg:$0x3] =	wrdreg s6  }
.Ltmp0:
0xe: {  	s10 =	sadd.s32 $0x500, s14;
	s12 =	sadd.s32 $0xA00, s14;
	(pc) =	sbr.rel .LBB2_1-.Ltmp0, $4  }
0xf: {  	s16 =	sadd.s32 $0xF00, s14;
	s17 =	sadd.s32 $0x1400, s14;
	s9 =	sadd.s32 s15, s10  }
0x10: {  	s10 =	sadd.s32 s0, s10;
	s11 =	sadd.s32 s15, s12;
	s12 =	sadd.s32 s0, s12  }
0x11: {  	s13 =	sadd.s32 s15, s16;
	s14 =	sadd.s32 s0, s16;
	s15 =	sadd.s32 s15, s17  }
0x12: {  	v0 =	vimm.f32 $0.0e+00;
	v1 =	vimm.f32 $-Inf;
	v2 =	vlaneseq.u32;
	s16 =	sadd.s32 s0, s17;
	s17 =	smax.u32 s1, $0x1;
	s0 =	simm.s32 $0x0  }
.LBB2_15:
0x13: {  	[hbm4b:s7+s3] =	stream.linear.scatter [tilespmem:s3], [sflag:$0x5], $0x2800, $0x38;
	[tilespmem:$0x1F700] =	vst v63  }
0x14: {  	_ =	swait.ge [sflag:s29], $0x2800  }
0x15: {  	[sflag:s29] =	ssyncset.done $0x0  }
0x16: {  	[sflag:s29] =	ssyncadd.s32 $0xFFFFD800  }
0x17: {  	[hbm4b:s8+s3] =	stream.linear.scatter [tilespmem:s25], [sflag:$0x5], $0x2800, $0x38;
	[tilespmem:$0x1F700] =	vst v63  }
0x18: {  	_ =	swait.ge [sflag:s29], $0x2800  }
0x19: {  	[sflag:s29] =	ssyncset.done $0x0  }
0x1a: {  	s1 =	simm.s32 $0x2800;
	[sflag:s29] =	ssyncadd.s32 $0xFFFFD800  }
0x1b: {  	[hbm4b:s9+s3] =	stream.linear.scatter [tilespmem:s1], [sflag:$0x5], $0x2800, $0x38;
	[tilespmem:$0x1F700] =	vst v63  }
0x1c: {  	_ =	swait.ge [sflag:s29], $0x2800  }
0x1d: {  	[sflag:s29] =	ssyncset.done $0x0  }
0x1e: {  	s30 =	simm.s32 $0xF000;
	[sflag:s29] =	ssyncadd.s32 $0xFFFFD800  }
0x1f: {  	[hbm4b:s10+s3] =	stream.linear.scatter [tilespmem:s30], [sflag:$0x5], $0x2800, $0x38;
	[tilespmem:$0x1F700] =	vst v63  }
0x20: {  	_ =	swait.ge [sflag:s29], $0x2800  }
0x21: {  	[sflag:s29] =	ssyncset.done $0x0  }
0x22: {  	s31 =	simm.s32 $0x5000;
	[sflag:s29] =	ssyncadd.s32 $0xFFFFD800  }
0x23: {  	[hbm4b:s11+s3] =	stream.linear.scatter [tilespmem:s31], [sflag:$0x5], $0x2800, $0x38;
	[tilespmem:$0x1F700] =	vst v63  }
0x24: {  	_ =	swait.ge [sflag:s29], $0x2800  }
0x25: {  	[sflag:s29] =	ssyncset.done $0x0  }
0x26: {  	s6 =	simm.s32 $0x11800;
	[sflag:s29] =	ssyncadd.s32 $0xFFFFD800  }
0x27: {  	[hbm4b:s12+s3] =	stream.linear.scatter [tilespmem:s6], [sflag:$0x5], $0x2800, $0x38;
	[tilespmem:$0x1F700] =	vst v63  }
0x28: {  	_ =	swait.ge [sflag:s29], $0x2800  }
0x29: {  	[sflag:s29] =	ssyncset.done $0x0  }
0x2a: {  	s18 =	simm.s32 $0x7800;
	[sflag:s29] =	ssyncadd.s32 $0xFFFFD800  }
0x2b: {  	[hbm4b:s13+s3] =	stream.linear.scatter [tilespmem:s18], [sflag:$0x5], $0x2800, $0x38;
	[tilespmem:$0x1F700] =	vst v63  }
0x2c: {  	_ =	swait.ge [sflag:s29], $0x2800  }
0x2d: {  	[sflag:s29] =	ssyncset.done $0x0  }
0x2e: {  	s19 =	simm.s32 $0x14000;
	[sflag:s29] =	ssyncadd.s32 $0xFFFFD800  }
0x2f: {  	[hbm4b:s14+s3] =	stream.linear.scatter [tilespmem:s19], [sflag:$0x5], $0x2800, $0x38;
	[tilespmem:$0x1F700] =	vst v63  }
0x30: {  	_ =	swait.ge [sflag:s29], $0x2800  }
0x31: {  	[sflag:s29] =	ssyncset.done $0x0  }
0x32: {  	s30 =	simm.s32 $0xA000;
	[sflag:s29] =	ssyncadd.s32 $0xFFFFD800  }
0x33: {  	[hbm4b:s15+s3] =	stream.linear.scatter [tilespmem:s30], [sflag:$0x5], $0x2800, $0x38;
	[tilespmem:$0x1F700] =	vst v63  }
0x34: {  	s0 =	sadd.s32 $0x1, s0;
	_ =	swait.ge [sflag:s29], $0x2800  }
0x35: {  	p0 =	sne.s32 s0, s17;
	[sflag:s29] =	ssyncset.done $0x0  }
.Ltmp1:
0x36: {  	s31 =	simm.s32 $0x16800;
	[sflag:s29] =	ssyncadd.s32 $0xFFFFD800;
	(pc) =	sbr.rel @!p0 .LBB2_16-.Ltmp1, $4  }
0x37: {  	[hbm4b:s16+s3] =	stream.linear.scatter [tilespmem:s31], [sflag:$0x5], $0x2800, $0x38;
	[tilespmem:$0x1F700] =	vst v63  }
0x38: {  	_ =	swait.ge [sflag:s29], $0x2800  }
0x39: {  	[sflag:s29] =	ssyncset.done $0x0  }
0x3a: {  	[sflag:s29] =	ssyncadd.s32 $0xFFFFD800  }
.LBB2_1:
0x3b: {  	s1 =	simm.s32 $0x40;
	s18 =	simm.s32 $0x0  }
.LBB2_2:
0x3c: {  	p0 =	sne.s32 s1, $0x31FC0;
	[tilespmem:s18+$0x0] =	vst v0;
	s19 =	smov.u32 s1;
	s1 =	sadd.s32 $0x40, s1  }
.Ltmp2:
0x3d: {  	[tilespmem:s18+$0xC800] =	vst v1;
	(pc) =	sbr.rel @p0 .LBB2_2-.Ltmp2, $2  }
0x3e: {  	_ =	sdelay $0x2  }
0x3f: {  	s18 =	sshra.s32 s19, $0x2  }
.Ltmp3:
0x40: {  	[tilespmem:s18+$0x0] =	vst v0;
	(pc) =	sbr.rel .LBB2_4-.Ltmp3, $4  }
0x41: {  	[tilespmem:s18+$0xC800] =	vst v1;
	s1 =	simm.s32 $0x0;
	s6 =	rddreg [dreg:$0x3];
	s30 =	simm.s32 $0x19000  }
0x42: {  	[tilespmem:s30], [sflag:$0x1] =	stream.linear.gather [hbm4b:s6+s1], $0x2710, $0x38;
	[tilespmem:$0x1F700] =	vst v63  }
0x43: {  	s31 =	simm.s32 $0x1DF00;
	s18 =	simm.s32 $0x0  }
0x44: {  	[tilespmem:s31], [sflag:$0x3] =	stream.linear.gather [hbm4b:s2+s1], $0x7D0, $0x38;
	[tilespmem:$0x1F700] =	vst v63  }
.LBB2_14:
0x45: {  	s18 =	sadd.s32 $0x1, s18  }
0x46: {  	p0 =	sne.s32 s18, $0x50  }
.Ltmp4:
0x47: {  	_ = 	snop;
	(pc) =	sbr.rel @!p0 .LBB2_15-.Ltmp4, $1  }
0x48: {  	_ =	sdelay $0x3  }
.LBB2_4:
0x49: {  	s19 =	sshllo.u32 s18, $0x1  }
0x4a: {  	s30 =	smul.u32 $0xA0, s19;
	_ =	sdelay $0x1  }
0x4b: {  	s30 =	sadd.s32 s5, s30  }
0x4c: {  	s30 =	smul.u32 $0xFA, s30;
	_ =	sdelay $0x1  }
0x4d: {  	s19 =	smul.u32 $0xFA, s19;
	s30 =	sadd.s32 s4, s30  }
0x4e: {  	[tilespmem:s20], [sflag:$0x2] =	stream.linear.gather [hbm4b:s30+s1], $0x2710, $0x38;
	[tilespmem:$0x1F700] =	vst v63  }
0x4f: {  	s19 =	sadd.s32 s2, s19  }
0x50: {  	[tilespmem:s21], [sflag:$0x4] =	stream.linear.gather [hbm4b:s19+s1], $0x7D0, $0x38;
	[tilespmem:$0x1F700] =	vst v63  }
0x51: {  	_ =	swait.ge [sflag:s22], $0x2710  }
.Ltmp5:
0x52: {  	[sflag:s22] =	ssyncset.done $0x0;
	(pc) =	sbr.rel .LBB2_5-.Ltmp5, $4  }
0x53: {  	[sflag:s22] =	ssyncadd.s32 $0xFFFFD8F0  }
0x54: {  	_ =	swait.ge [sflag:s23], $0x7D0  }
0x55: {  	[sflag:s23] =	ssyncset.done $0x0  }
0x56: {  	s30 =	simm.s32 $0x0;
	s19 =	sshll.u32 s18, $0x1;
	[sflag:s23] =	ssyncadd.s32 $0xFFFFF830  }
.LBB2_7:
0x57: {  	_ =	sdelay $0x3  }
0x58: {  	v5 =	vld.idx.msk [tilespmem:v3+s25+$0x0], $0xffff;
	_ =	sdelay $0x4  }
0x59: {  	vm0 =	vlt.f32 v5, v4;
	_ =	sdelay $0x5  }
0x5a: {  	[tilespmem:v3+s25+$0x0] =	vst.idx.msk vm0, v4  }
0x5b: {  	v45 =	vld.idx.msk [tilespmem:v3+s25+$0x0], $0xffff;
	_ =	sdelay $0x4  }
0x5c: {  	vm10 =	vlt.f32 v45, v4;
	_ =	sdelay $0x5  }
0x5d: {  	[tilespmem:v3+s25+$0x0] =	vst.idx.msk vm10, v4  }
0x5e: {  	v46 =	vld.idx.msk [tilespmem:v3+s25+$0x0], $0xffff;
	_ =	sdelay $0x4  }
0x5f: {  	vm11 =	vlt.f32 v46, v4;
	_ =	sdelay $0x5  }
0x60: {  	[tilespmem:v3+s25+$0x0] =	vst.idx.msk vm11, v4  }
0x61: {  	v47 =	vadd.s32 $0x2800, v3;
	v4 =	vld [tilespmem:s31+$0x197D0];
	_ =	sdelay $0x4  }
0x62: {  	[tilespmem:v47+s3+$0x0] =	vst.idx.add.f32.msk $0xffff, v4  }
0x63: {  	v6 =	vld.idx.msk [tilespmem:v47+s25+$0x0], $0xffff;
	_ =	sdelay $0x4  }
0x64: {  	vm12 =	vgt.f32 v4, v6;
	_ =	sdelay $0x5  }
0x65: {  	[tilespmem:v47+s25+$0x0] =	vst.idx.msk vm12, v4  }
0x66: {  	v48 =	vld.idx.msk [tilespmem:v47+s25+$0x0], $0xffff;
	_ =	sdelay $0x4  }
0x67: {  	vm13 =	vlt.f32 v48, v4;
	_ =	sdelay $0x5  }
0x68: {  	[tilespmem:v47+s25+$0x0] =	vst.idx.msk vm13, v4  }
0x69: {  	v49 =	vld.idx.msk [tilespmem:v47+s25+$0x0], $0xffff;
	_ =	sdelay $0x4  }
0x6a: {  	vm14 =	vlt.f32 v49, v4;
	_ =	sdelay $0x5  }
0x6b: {  	[tilespmem:v47+s25+$0x0] =	vst.idx.msk vm14, v4  }
0x6c: {  	v50 =	vld.idx.msk [tilespmem:v47+s25+$0x0], $0xffff;
	_ =	sdelay $0x4  }
0x6d: {  	vm15 =	vlt.f32 v50, v4;
	_ =	sdelay $0x5  }
0x6e: {  	[tilespmem:v47+s25+$0x0] =	vst.idx.msk vm15, v4  }
0x6f: {  	v51 =	vadd.s32 $0x5000, v3;
	v4 =	vld [tilespmem:s31+$0x19FA0];
	_ =	sdelay $0x4  }
0x70: {  	[tilespmem:v51+s3+$0x0] =	vst.idx.add.f32.msk $0xffff, v4  }
0x71: {  	v52 =	vld.idx.msk [tilespmem:v51+s25+$0x0], $0xffff;
	_ =	sdelay $0x4  }
0x72: {  	vm4 =	vgt.f32 v4, v52;
	_ =	sdelay $0x5  }
0x73: {  	[tilespmem:v51+s25+$0x0] =	vst.idx.msk vm4, v4  }
0x74: {  	v53 =	vld.idx.msk [tilespmem:v51+s25+$0x0], $0xffff;
	_ =	sdelay $0x4  }
0x75: {  	vm5 =	vlt.f32 v53, v4;
	_ =	sdelay $0x5  }
0x76: {  	[tilespmem:v51+s25+$0x0] =	vst.idx.msk vm5, v4  }
0x77: {  	v54 =	vld.idx.msk [tilespmem:v51+s25+$0x0], $0xffff;
	_ =	sdelay $0x4  }
0x78: {  	vm6 =	vlt.f32 v54, v4;
	_ =	sdelay $0x5  }
0x79: {  	[tilespmem:v51+s25+$0x0] =	vst.idx.msk vm6, v4  }
0x7a: {  	v55 =	vld.idx.msk [tilespmem:v51+s25+$0x0], $0xffff;
	_ =	sdelay $0x4  }
0x7b: {  	vm7 =	vlt.f32 v55, v4;
	_ =	sdelay $0x5  }
0x7c: {  	[tilespmem:v51+s25+$0x0] =	vst.idx.msk vm7, v4  }
0x7d: {  	v56 =	vadd.s32 $0x7800, v3;
	v4 =	vld [tilespmem:s31+$0x1A770];
	_ =	sdelay $0x4  }
0x7e: {  	[tilespmem:v56+s3+$0x0] =	vst.idx.add.f32.msk $0xffff, v4  }
0x7f: {  	v57 =	vld.idx.msk [tilespmem:v56+s25+$0x0], $0xffff;
	_ =	sdelay $0x4  }
0x80: {  	vm8 =	vgt.f32 v4, v57;
	_ =	sdelay $0x5  }
0x81: {  	[tilespmem:v56+s25+$0x0] =	vst.idx.msk vm8, v4  }
0x82: {  	v58 =	vld.idx.msk [tilespmem:v56+s25+$0x0], $0xffff;
	_ =	sdelay $0x4  }
0x83: {  	vm9 =	vlt.f32 v58, v4;
	_ =	sdelay $0x5  }
0x84: {  	[tilespmem:v56+s25+$0x0] =	vst.idx.msk vm9, v4  }
0x85: {  	v59 =	vld.idx.msk [tilespmem:v56+s25+$0x0], $0xffff;
	_ =	sdelay $0x4  }
0x86: {  	vm10 =	vlt.f32 v59, v4;
	_ =	sdelay $0x5  }
0x87: {  	[tilespmem:v56+s25+$0x0] =	vst.idx.msk vm10, v4  }
0x88: {  	v60 =	vld.idx.msk [tilespmem:v56+s25+$0x0], $0xffff;
	_ =	sdelay $0x4  }
0x89: {  	vm11 =	vlt.f32 v60, v4;
	_ =	sdelay $0x5  }
0x8a: {  	[tilespmem:v56+s25+$0x0] =	vst.idx.msk vm11, v4  }
0x8b: {  	v3 =	vadd.s32 $0xA000, v3;
	v4 =	vld [tilespmem:s31+$0x1AF40];
	_ =	sdelay $0x4  }
0x8c: {  	[tilespmem:v3+s3+$0x0] =	vst.idx.add.f32.msk $0xffff, v4  }
0x8d: {  	v5 =	vld.idx.msk [tilespmem:v3+s25+$0x0], $0xffff;
	_ =	sdelay $0x4  }
0x8e: {  	vm12 =	vgt.f32 v4, v5;
	_ =	sdelay $0x5  }
0x8f: {  	[tilespmem:v3+s25+$0x0] =	vst.idx.msk vm12, v4  }
0x90: {  	v61 =	vld.idx.msk [tilespmem:v3+s25+$0x0], $0xffff;
	_ =	sdelay $0x4  }
0x91: {  	vm13 =	vlt.f32 v61, v4;
	_ =	sdelay $0x5  }
0x92: {  	[tilespmem:v3+s25+$0x0] =	vst.idx.msk vm13, v4  }
0x93: {  	v62 =	vld.idx.msk [tilespmem:v3+s25+$0x0], $0xffff;
	_ =	sdelay $0x4  }
0x94: {  	vm14 =	vlt.f32 v62, v4;
	_ =	sdelay $0x5  }
0x95: {  	[tilespmem:v3+s25+$0x0] =	vst.idx.msk vm14, v4  }
0x96: {  	v63 =	vld.idx.msk [tilespmem:v3+s25+$0x0], $0xffff;
	_ =	sdelay $0x4  }
0x97: {  	vm15 =	vlt.f32 v63, v4;
	_ =	sdelay $0x5  }
0x98: {  	[tilespmem:v3+s25+$0x0] =	vst.idx.msk vm15, v4  }
.LBB2_8:
0x99: {  	s30 =	sadd.s32 $0x40, s30  }
0x9a: {  	p0 =	sne.s32 s30, $0x1F40  }
.Ltmp6:
0x9b: {  	_ = 	snop;
	(pc) =	sbr.rel @!p0 .LBB2_9-.Ltmp6, $1  }
0x9c: {  	_ =	sdelay $0x3  }
.LBB2_5:
0x9d: {  	s31 =	sshra.s32 s30, $0x2  }
0x9e: {  	v3 =	vld [tilespmem:s31+$0x1DF00];
	_ =	sdelay $0x4  }
0x9f: {  	v4 =	vand.u32 $0x7FF, v3;
	_ =	sdelay $0x4  }
0xa0: {  	[tilespmem:v4+s24+$0x0] =	vst.idx.msk $0xffff, v2  }
0xa1: {  	v4 =	vld.idx.msk [tilespmem:v4+s24+$0x0], $0xffff;
	_ =	sdelay $0x4  }
0xa2: {  	vm0 =	veq.s32 v4, v2  }
0xa3: {  	v4 =	vsel vm0, $0x3F800000, v0  }
0xa4: {  	(xrf0) =	vmin.scan.msk.f32 $0xffff, v4;
	_ =	sdelay $0x5  }
0xa5: {  	v4, _, _ =	vpop (xrf0)  }
0xa6: {  	(v2sf) =	vpush v4, $0xF;
	_ =	sdelay $0x3  }
0xa7: {  	v4 =	vld [tilespmem:s31+$0x19000];
	_ =	sdelay $0x4  }
0xa8: {  	[tilespmem:v3+s3+$0x0] =	vst.idx.add.f32.msk $0xffff, v4  }
0xa9: {  	v5 =	vld.idx.msk [tilespmem:v3+s25+$0x0], $0xffff;
	_ =	sdelay $0x4  }
0xaa: {  	vm15 =	vgt.f32 v4, v5;
	s6 =	spop (v2sf)  }
0xab: {  	p0 =	sgt.f32 s6, $0.0e+00  }
.Ltmp7:
0xac: {  	_ = 	snop;
	(pc) =	sbr.rel @!p0 .LBB2_7-.Ltmp7, $2  }
0xad: {  	_ =	sdelay $0x2  }
0xae: {  	[tilespmem:v3+s25+$0x0] =	vst.idx.msk vm15, v4  }
0xaf: {  	v4 =	vld [tilespmem:s31+$0x197D0];
	v5 =	vadd.s32 $0x2800, v3;
	_ =	sdelay $0x4  }
0xb0: {  	[tilespmem:v5+s3+$0x0] =	vst.idx.add.f32.msk $0xffff, v4  }
0xb1: {  	v6 =	vld.idx.msk [tilespmem:v5+s25+$0x0], $0xffff;
	_ =	sdelay $0x4  }
0xb2: {  	vm0 =	vgt.f32 v4, v6;
	_ =	sdelay $0x5  }
0xb3: {  	[tilespmem:v5+s25+$0x0] =	vst.idx.msk vm0, v4  }
0xb4: {  	v60 =	vadd.s32 $0x5000, v3;
	v4 =	vld [tilespmem:s31+$0x19FA0];
	_ =	sdelay $0x4  }
0xb5: {  	[tilespmem:v60+s3+$0x0] =	vst.idx.add.f32.msk $0xffff, v4  }
0xb6: {  	v61 =	vld.idx.msk [tilespmem:v60+s25+$0x0], $0xffff;
	_ =	sdelay $0x4  }
0xb7: {  	vm13 =	vgt.f32 v4, v61;
	_ =	sdelay $0x5  }
0xb8: {  	[tilespmem:v60+s25+$0x0] =	vst.idx.msk vm13, v4  }
0xb9: {  	v62 =	vadd.s32 $0x7800, v3;
	v4 =	vld [tilespmem:s31+$0x1A770];
	_ =	sdelay $0x4  }
0xba: {  	[tilespmem:v62+s3+$0x0] =	vst.idx.add.f32.msk $0xffff, v4  }
0xbb: {  	v63 =	vld.idx.msk [tilespmem:v62+s25+$0x0], $0xffff;
	_ =	sdelay $0x4  }
0xbc: {  	vm14 =	vgt.f32 v4, v63;
	_ =	sdelay $0x5  }
0xbd: {  	[tilespmem:v62+s25+$0x0] =	vst.idx.msk vm14, v4  }
0xbe: {  	v3 =	vadd.s32 $0xA000, v3;
	v4 =	vld [tilespmem:s31+$0x1AF40];
	_ =	sdelay $0x4  }
0xbf: {  	[tilespmem:v3+s3+$0x0] =	vst.idx.add.f32.msk $0xffff, v4  }
0xc0: {  	v5 =	vld.idx.msk [tilespmem:v3+s25+$0x0], $0xffff;
	_ =	sdelay $0x4  }
0xc1: {  	vm15 =	vgt.f32 v4, v5;
	_ =	sdelay $0x1  }
.Ltmp8:
0xc2: {  	_ = 	snop;
	(pc) =	sbr.rel .LBB2_8-.Ltmp8, $2  }
0xc3: {  	_ =	sdelay $0x2  }
0xc4: {  	[tilespmem:v3+s25+$0x0] =	vst.idx.msk vm15, v4  }
.LBB2_9:
0xc5: {  	p0 =	seq.s32 s18, $0x4F  }
0xc6: {  	s6 =	sadd.s32 @!p0 $0x2, s19  }
0xc7: {  	s19 =	smul.u32 @!p0 $0xA0, s6;
	_ =	sdelay $0x1  }
0xc8: {  	s19 =	sadd.s32 @!p0 s5, s19  }
0xc9: {  	s19 =	smul.u32 @!p0 $0xFA, s19  }
0xca: {  	s30 =	simm.s32 @!p0 $0x0  }
0xcb: {  	s31 =	simm.s32 @!p0 $0x19000;
	s6 =	smul.u32 @!p0 $0xFA, s6;
	s19 =	sadd.s32 @!p0 s4, s19  }
0xcc: {  	[tilespmem:s31], [sflag:$0x1] =	stream.linear.gather @!p0 [hbm4b:s19+s30], $0x2710, $0x38;
	[tilespmem:$0x1F700] =	vst v63  }
0xcd: {  	s6 =	sadd.s32 @!p0 s2, s6;
	s19 =	simm.s32 @!p0 $0x1DF00  }
0xce: {  	[tilespmem:s19], [sflag:$0x3] =	stream.linear.gather @!p0 [hbm4b:s6+s30], $0x7D0, $0x38;
	[tilespmem:$0x1F700] =	vst v63  }
0xcf: {  	_ =	swait.ge [sflag:s26], $0x2710  }
.Ltmp9:
0xd0: {  	[sflag:s26] =	ssyncset.done $0x0;
	(pc) =	sbr.rel .LBB2_10-.Ltmp9, $4  }
0xd1: {  	[sflag:s26] =	ssyncadd.s32 $0xFFFFD8F0  }
0xd2: {  	_ =	swait.ge [sflag:s28], $0x7D0  }
0xd3: {  	[sflag:s28] =	ssyncset.done $0x0  }
0xd4: {  	s19 =	simm.s32 $0x0;
	[sflag:s28] =	ssyncadd.s32 $0xFFFFF830  }
.LBB2_12:
0xd5: {  	_ =	sdelay $0x3  }
0xd6: {  	v5 =	vld.idx.msk [tilespmem:v3+s25+$0x0], $0xffff;
	_ =	sdelay $0x4  }
0xd7: {  	vm0 =	vlt.f32 v5, v4;
	_ =	sdelay $0x5  }
0xd8: {  	[tilespmem:v3+s25+$0x0] =	vst.idx.msk vm0, v4  }
0xd9: {  	v45 =	vld.idx.msk [tilespmem:v3+s25+$0x0], $0xffff;
	_ =	sdelay $0x4  }
0xda: {  	vm10 =	vlt.f32 v45, v4;
	_ =	sdelay $0x5  }
0xdb: {  	[tilespmem:v3+s25+$0x0] =	vst.idx.msk vm10, v4  }
0xdc: {  	v46 =	vld.idx.msk [tilespmem:v3+s25+$0x0], $0xffff;
	_ =	sdelay $0x4  }
0xdd: {  	vm11 =	vlt.f32 v46, v4;
	_ =	sdelay $0x5  }
0xde: {  	[tilespmem:v3+s25+$0x0] =	vst.idx.msk vm11, v4  }
0xdf: {  	v47 =	vadd.s32 $0x2800, v3;
	v4 =	vld [tilespmem:s30+$0x1BF50];
	_ =	sdelay $0x4  }
0xe0: {  	[tilespmem:v47+s3+$0x0] =	vst.idx.add.f32.msk $0xffff, v4  }
0xe1: {  	v6 =	vld.idx.msk [tilespmem:v47+s25+$0x0], $0xffff;
	_ =	sdelay $0x4  }
0xe2: {  	vm12 =	vgt.f32 v4, v6;
	_ =	sdelay $0x5  }
0xe3: {  	[tilespmem:v47+s25+$0x0] =	vst.idx.msk vm12, v4  }
0xe4: {  	v48 =	vld.idx.msk [tilespmem:v47+s25+$0x0], $0xffff;
	_ =	sdelay $0x4  }
0xe5: {  	vm13 =	vlt.f32 v48, v4;
	_ =	sdelay $0x5  }
0xe6: {  	[tilespmem:v47+s25+$0x0] =	vst.idx.msk vm13, v4  }
0xe7: {  	v49 =	vld.idx.msk [tilespmem:v47+s25+$0x0], $0xffff;
	_ =	sdelay $0x4  }
0xe8: {  	vm14 =	vlt.f32 v49, v4;
	_ =	sdelay $0x5  }
0xe9: {  	[tilespmem:v47+s25+$0x0] =	vst.idx.msk vm14, v4  }
0xea: {  	v50 =	vld.idx.msk [tilespmem:v47+s25+$0x0], $0xffff;
	_ =	sdelay $0x4  }
0xeb: {  	vm15 =	vlt.f32 v50, v4;
	_ =	sdelay $0x5  }
0xec: {  	[tilespmem:v47+s25+$0x0] =	vst.idx.msk vm15, v4  }
0xed: {  	v51 =	vadd.s32 $0x5000, v3;
	v4 =	vld [tilespmem:s30+$0x1C720];
	_ =	sdelay $0x4  }
0xee: {  	[tilespmem:v51+s3+$0x0] =	vst.idx.add.f32.msk $0xffff, v4  }
0xef: {  	v52 =	vld.idx.msk [tilespmem:v51+s25+$0x0], $0xffff;
	_ =	sdelay $0x4  }
0xf0: {  	vm4 =	vgt.f32 v4, v52;
	_ =	sdelay $0x5  }
0xf1: {  	[tilespmem:v51+s25+$0x0] =	vst.idx.msk vm4, v4  }
0xf2: {  	v53 =	vld.idx.msk [tilespmem:v51+s25+$0x0], $0xffff;
	_ =	sdelay $0x4  }
0xf3: {  	vm5 =	vlt.f32 v53, v4;
	_ =	sdelay $0x5  }
0xf4: {  	[tilespmem:v51+s25+$0x0] =	vst.idx.msk vm5, v4  }
0xf5: {  	v54 =	vld.idx.msk [tilespmem:v51+s25+$0x0], $0xffff;
	_ =	sdelay $0x4  }
0xf6: {  	vm6 =	vlt.f32 v54, v4;
	_ =	sdelay $0x5  }
0xf7: {  	[tilespmem:v51+s25+$0x0] =	vst.idx.msk vm6, v4  }
0xf8: {  	v55 =	vld.idx.msk [tilespmem:v51+s25+$0x0], $0xffff;
	_ =	sdelay $0x4  }
0xf9: {  	vm7 =	vlt.f32 v55, v4;
	_ =	sdelay $0x5  }
0xfa: {  	[tilespmem:v51+s25+$0x0] =	vst.idx.msk vm7, v4  }
0xfb: {  	v56 =	vadd.s32 $0x7800, v3;
	v4 =	vld [tilespmem:s30+$0x1CEF0];
	_ =	sdelay $0x4  }
0xfc: {  	[tilespmem:v56+s3+$0x0] =	vst.idx.add.f32.msk $0xffff, v4  }
0xfd: {  	v57 =	vld.idx.msk [tilespmem:v56+s25+$0x0], $0xffff;
	_ =	sdelay $0x4  }
0xfe: {  	vm8 =	vgt.f32 v4, v57;
	_ =	sdelay $0x5  }
0xff: {  	[tilespmem:v56+s25+$0x0] =	vst.idx.msk vm8, v4  }
0x100: {  	v58 =	vld.idx.msk [tilespmem:v56+s25+$0x0], $0xffff;
	_ =	sdelay $0x4  }
0x101: {  	vm9 =	vlt.f32 v58, v4;
	_ =	sdelay $0x5  }
0x102: {  	[tilespmem:v56+s25+$0x0] =	vst.idx.msk vm9, v4  }
0x103: {  	v59 =	vld.idx.msk [tilespmem:v56+s25+$0x0], $0xffff;
	_ =	sdelay $0x4  }
0x104: {  	vm10 =	vlt.f32 v59, v4;
	_ =	sdelay $0x5  }
0x105: {  	[tilespmem:v56+s25+$0x0] =	vst.idx.msk vm10, v4  }
0x106: {  	v60 =	vld.idx.msk [tilespmem:v56+s25+$0x0], $0xffff;
	_ =	sdelay $0x4  }
0x107: {  	vm11 =	vlt.f32 v60, v4;
	_ =	sdelay $0x5  }
0x108: {  	[tilespmem:v56+s25+$0x0] =	vst.idx.msk vm11, v4  }
0x109: {  	v3 =	vadd.s32 $0xA000, v3;
	v4 =	vld [tilespmem:s30+$0x1D6C0];
	_ =	sdelay $0x4  }
0x10a: {  	[tilespmem:v3+s3+$0x0] =	vst.idx.add.f32.msk $0xffff, v4  }
0x10b: {  	v5 =	vld.idx.msk [tilespmem:v3+s25+$0x0], $0xffff;
	_ =	sdelay $0x4  }
0x10c: {  	vm12 =	vgt.f32 v4, v5;
	_ =	sdelay $0x5  }
0x10d: {  	[tilespmem:v3+s25+$0x0] =	vst.idx.msk vm12, v4  }
0x10e: {  	v61 =	vld.idx.msk [tilespmem:v3+s25+$0x0], $0xffff;
	_ =	sdelay $0x4  }
0x10f: {  	vm13 =	vlt.f32 v61, v4;
	_ =	sdelay $0x5  }
0x110: {  	[tilespmem:v3+s25+$0x0] =	vst.idx.msk vm13, v4  }
0x111: {  	v62 =	vld.idx.msk [tilespmem:v3+s25+$0x0], $0xffff;
	_ =	sdelay $0x4  }
0x112: {  	vm14 =	vlt.f32 v62, v4;
	_ =	sdelay $0x5  }
0x113: {  	[tilespmem:v3+s25+$0x0] =	vst.idx.msk vm14, v4  }
0x114: {  	v63 =	vld.idx.msk [tilespmem:v3+s25+$0x0], $0xffff;
	_ =	sdelay $0x4  }
0x115: {  	vm15 =	vlt.f32 v63, v4;
	_ =	sdelay $0x5  }
0x116: {  	[tilespmem:v3+s25+$0x0] =	vst.idx.msk vm15, v4  }
.LBB2_13:
0x117: {  	s19 =	sadd.s32 $0x40, s19  }
0x118: {  	p0 =	sne.s32 s19, $0x1F40  }
.Ltmp10:
0x119: {  	_ = 	snop;
	(pc) =	sbr.rel @!p0 .LBB2_14-.Ltmp10, $1  }
0x11a: {  	_ =	sdelay $0x3  }
.LBB2_10:
0x11b: {  	s30 =	sshra.s32 s19, $0x2  }
0x11c: {  	v3 =	vld [tilespmem:s30+$0x1E700];
	_ =	sdelay $0x4  }
0x11d: {  	v4 =	vand.u32 $0x7FF, v3;
	_ =	sdelay $0x4  }
0x11e: {  	[tilespmem:v4+s24+$0x0] =	vst.idx.msk $0xffff, v2  }
0x11f: {  	v4 =	vld.idx.msk [tilespmem:v4+s24+$0x0], $0xffff;
	_ =	sdelay $0x4  }
0x120: {  	vm0 =	veq.s32 v4, v2  }
0x121: {  	v4 =	vsel vm0, $0x3F800000, v0  }
0x122: {  	(xrf0) =	vmin.scan.msk.f32 $0xffff, v4;
	_ =	sdelay $0x5  }
0x123: {  	v4, _, _ =	vpop (xrf0)  }
0x124: {  	(v2sf) =	vpush v4, $0xF;
	_ =	sdelay $0x3  }
0x125: {  	v4 =	vld [tilespmem:s30+$0x1B780];
	_ =	sdelay $0x4  }
0x126: {  	[tilespmem:v3+s3+$0x0] =	vst.idx.add.f32.msk $0xffff, v4  }
0x127: {  	v5 =	vld.idx.msk [tilespmem:v3+s25+$0x0], $0xffff;
	_ =	sdelay $0x4  }
0x128: {  	vm15 =	vgt.f32 v4, v5;
	s6 =	spop (v2sf)  }
0x129: {  	p0 =	sgt.f32 s6, $0.0e+00  }
.Ltmp11:
0x12a: {  	_ = 	snop;
	(pc) =	sbr.rel @!p0 .LBB2_12-.Ltmp11, $2  }
0x12b: {  	_ =	sdelay $0x2  }
0x12c: {  	[tilespmem:v3+s25+$0x0] =	vst.idx.msk vm15, v4  }
0x12d: {  	v4 =	vld [tilespmem:s30+$0x1BF50];
	v5 =	vadd.s32 $0x2800, v3;
	_ =	sdelay $0x4  }
0x12e: {  	[tilespmem:v5+s3+$0x0] =	vst.idx.add.f32.msk $0xffff, v4  }
0x12f: {  	v6 =	vld.idx.msk [tilespmem:v5+s25+$0x0], $0xffff;
	_ =	sdelay $0x4  }
0x130: {  	vm0 =	vgt.f32 v4, v6;
	_ =	sdelay $0x5  }
0x131: {  	[tilespmem:v5+s25+$0x0] =	vst.idx.msk vm0, v4  }
0x132: {  	v60 =	vadd.s32 $0x5000, v3;
	v4 =	vld [tilespmem:s30+$0x1C720];
	_ =	sdelay $0x4  }
0x133: {  	[tilespmem:v60+s3+$0x0] =	vst.idx.add.f32.msk $0xffff, v4  }
0x134: {  	v61 =	vld.idx.msk [tilespmem:v60+s25+$0x0], $0xffff;
	_ =	sdelay $0x4  }
0x135: {  	vm13 =	vgt.f32 v4, v61;
	_ =	sdelay $0x5  }
0x136: {  	[tilespmem:v60+s25+$0x0] =	vst.idx.msk vm13, v4  }
0x137: {  	v62 =	vadd.s32 $0x7800, v3;
	v4 =	vld [tilespmem:s30+$0x1CEF0];
	_ =	sdelay $0x4  }
0x138: {  	[tilespmem:v62+s3+$0x0] =	vst.idx.add.f32.msk $0xffff, v4  }
0x139: {  	v63 =	vld.idx.msk [tilespmem:v62+s25+$0x0], $0xffff;
	_ =	sdelay $0x4  }
0x13a: {  	vm14 =	vgt.f32 v4, v63;
	_ =	sdelay $0x5  }
0x13b: {  	[tilespmem:v62+s25+$0x0] =	vst.idx.msk vm14, v4  }
0x13c: {  	v3 =	vadd.s32 $0xA000, v3;
	v4 =	vld [tilespmem:s30+$0x1D6C0];
	_ =	sdelay $0x4  }
0x13d: {  	[tilespmem:v3+s3+$0x0] =	vst.idx.add.f32.msk $0xffff, v4  }
0x13e: {  	v5 =	vld.idx.msk [tilespmem:v3+s25+$0x0], $0xffff;
	_ =	sdelay $0x4  }
0x13f: {  	vm15 =	vgt.f32 v4, v5;
	_ =	sdelay $0x1  }
.Ltmp12:
0x140: {  	_ = 	snop;
	(pc) =	sbr.rel .LBB2_13-.Ltmp12, $2  }
0x141: {  	_ =	sdelay $0x2  }
0x142: {  	[tilespmem:v3+s25+$0x0] =	vst.idx.msk vm15, v4  }
.LBB2_16:
0x143: {  	_ =	sfence.sel $0x180000  }
0x144: {  	[bflag:$0x0] =	sbarrier.arrive $0xFFFF  }
0x145: {  	_ =	strace $0x9000004A  }
0x146: {  	s0 =	stileid.u32;
	[bflag:$0x2] =	sbarrier.arrive $0xFFFF  }
0x147: {  	p0 =	sne.s32 s0, $0x0;
	s0 =	rddreg [dreg:$0x2]  }
0x148: {  	s0 =	sadd.s32 @!p0 $0x100000, s0  }
0x149: {  	[sflag:s0] =	ssyncadd.tile.s32 @!p0 $0x1;
	_ =	shalt  }
.Lfunc_end2:
_tile_overlayer_lowered:
.L_overlay_start_2:
0x14a: {  	(tag) =	ssettag $0x2  }
0x14b: {  	s0 =	rddreg [dreg:$0x0];
	s2 =	stileid.u32  }
0x14c: {  	s1 =	rddreg [dreg:$0x1];
	p0 =	sne.s32 s2, $0x0  }
0x14d: {  	s3 =	rddreg [dreg:$0x2];
	[bflag:$0x3] =	sbarrier.arrive $0xFFFF;
	s2 =	simm.s32 @!p0 $0x1C05  }
0x14e: {  	[timem:s3], [sflag:s2] =	dma.local @!p0 [hbm:s0], s1  }
0x14f: {  	s0 =	simm.s32 @!p0 $0x5  }
0x150: {  	_ =	swait.ge @!p0 [sflag:s0], s1  }
0x151: {  	s1 =	ssub.s32 @!p0 $0x0, s1;
	[sflag:s0] =	ssyncset.done @!p0 $0x0  }
0x152: {  	[sflag:s0] =	ssyncadd.s32 @!p0 s1  }
0x153: {  	[bflag:$0x3] =	sbarrier.arrive $0xFFFF  }
0x154: {  	_ =	shalt  }

</sc_bundles>
